<compile_context>
chip_gen: v7x
topology: tpu7x:2x2x1
jax: 0.10.2.dev20260603
libtpu: 0.0.44.dev20260713+nightly
codegen_flags: <defaults>
</compile_context>

<pallas_src>
import functools

import jax
import jax.numpy as jnp
from jax import lax
from jax.experimental import pallas as pl
from jax.experimental.pallas import tpu as pltpu
from jax.experimental.pallas import tpu_sc as plsc

_INFO = plsc.get_sparse_core_info()
_NC, _NS = _INFO.num_cores, _INFO.num_subcores
_NW = _NC * _NS
_L = 16

_BK = 32768
_BKH = _BK // 2
_BK_SHIFT = 15
_BKH_SHIFT = 14
_CH = 128


def _sc_gather_fold(pt2, idx, D):
    V2, D2 = pt2.shape
    B = idx.shape[0]
    b_per_w = B // _NW

    @functools.partial(
        pl.kernel,
        mesh=plsc.VectorSubcoreMesh(core_axis_name="c", subcore_axis_name="s"),
        out_type=jax.ShapeDtypeStruct((B, D), jnp.float32),
        scratch_types=[
            pltpu.VMEM((b_per_w + _L,), jnp.int32),
            pltpu.VMEM((2, _CH, D2), jnp.float32),
            pltpu.VMEM((b_per_w, D), jnp.float32),
            pltpu.SemaphoreType.DMA,
            pltpu.SemaphoreType.DMA,
        ],
        compiler_params=pltpu.CompilerParams(use_tc_tiling_on_sc=True),
    )
    def k(pt2_hbm, idx_hbm, out_hbm, idx_v, rows_v, out_v, sem0, sem1):
        sems = (sem0, sem1)
        wid = lax.axis_index("s") * _NC + lax.axis_index("c")
        base = wid * b_per_w
        n_chunks = b_per_w // _CH
        pltpu.sync_copy(
            idx_hbm.at[pl.ds(base, b_per_w)], idx_v.at[pl.ds(0, b_per_w)]
        )

        def fire(c):
            def body(i, _, c=c):
                q = idx_v[pl.ds(c * _CH + i, _L)][0]
                j = lax.shift_right_logical(q, _BK_SHIFT)
                r = q & (_BK - 1)
                row = (j << _BKH_SHIFT) | (r & (_BKH - 1))
                pltpu.async_copy(
                    pt2_hbm.at[row], rows_v.at[c % 2].at[i], sems[c % 2]
                )
                return 0

            lax.fori_loop(0, _CH, body, 0)

        fire(0)
        for c in range(n_chunks):
            if c + 1 < n_chunks:
                fire(c + 1)
            pltpu.make_async_copy(
                pt2_hbm.at[pl.ds(0, _CH)], rows_v.at[c % 2], sems[c % 2]
            ).wait()

            def select(i, _, c=c):
                q = idx_v[pl.ds(c * _CH + i, _L)][0]
                h = lax.shift_right_logical(q, _BKH_SHIFT) & 1
                off = h * D
                for kk in range(D // _L):
                    out_v[c * _CH + i, pl.ds(kk * _L, _L)] = (
                        rows_v[c % 2, i, pl.ds(off + kk * _L, _L)]
                    )
                return 0

            lax.fori_loop(0, _CH, select, 0)
        pltpu.sync_copy(out_v, out_hbm.at[pl.ds(base, b_per_w)])

    return k(pt2, idx)


def _pt_body(xt_ref, w_ref, b_ref, o_ref):
    d = w_ref.shape[0]
    wt = w_ref[...].T.astype(jnp.bfloat16)
    for h in range(2):
        o_ref[:, h * d : (h + 1) * d] = (
            lax.dot_general(
                xt_ref[:, h * _BKH : (h + 1) * _BKH].astype(jnp.bfloat16),
                wt,
                (((0,), (0,)), ((), ())),
                preferred_element_type=jnp.float32,
            )
            + b_ref[...]
        )


def kernel(self_words, embed, W_in, b_in):
    B = self_words.shape[0]
    V, D = embed.shape
    idx = self_words.astype(jnp.int32)

    nb = pl.cdiv(V, _BK)
    pt2 = pl.pallas_call(
        _pt_body,
        grid=(nb,),
        in_specs=[
            pl.BlockSpec((D, _BK), lambda j: (0, j)),
            pl.BlockSpec((D, D), lambda j: (0, 0)),
            pl.BlockSpec((1, D), lambda j: (0, 0)),
        ],
        out_specs=pl.BlockSpec((_BKH, 2 * D), lambda j: (j, 0)),
        out_shape=jax.ShapeDtypeStruct((nb * _BKH, 2 * D), jnp.float32),
        compiler_params=pltpu.CompilerParams(
            fuse_transposed_lhs_in_matmul=True,
            vmem_limit_bytes=100 * 1024 * 1024,
        ),
    )(embed.T, W_in, b_in.reshape(1, D))

    return _sc_gather_fold(pt2, idx, D)

# --- scband reference (transcript-rebuilt; emitter-appended) ---
"""Pipeline reference for scband-skip-gram-neg-83296595739016 (READ-ONLY COPY).

The authoritative reference and input builder live on the scoring server;
editing this copy changes nothing except your own understanding.
"""

import jax, jax.numpy as jnp
import numpy as np

N_VOCAB = 1000000
N_EMBED = 64
BATCH = 16384

def setup_inputs(seed: int = 0) -> dict:
    key = jax.random.key(seed)
    k1, k2, k3, k4 = jax.random.split(key, 4)
    self_words = jax.random.randint(k1, (BATCH,), 0, N_VOCAB, dtype=jnp.int64 if jax.config.jax_enable_x64 else jnp.int32)
    # embedding table initialized uniform(-1, 1) per the torch module
    embed = jax.random.uniform(k2, (N_VOCAB, N_EMBED), dtype=jnp.float32, minval=-1.0, maxval=1.0)
    # in_transform linear: weight uniform(0, 0.3), bias default torch init (uniform(-1/sqrt(fan_in), 1/sqrt(fan_in)))
    W_in = jax.random.uniform(k3, (N_EMBED, N_EMBED), dtype=jnp.float32, minval=0.0, maxval=0.3)
    bound = 1.0 / np.sqrt(N_EMBED)
    b_in = jax.random.uniform(k4, (N_EMBED,), dtype=jnp.float32, minval=-bound, maxval=bound)
    return {"self_words": self_words, "embed": embed, "W_in": W_in, "b_in": b_in}

def reference(self_words, embed, W_in, b_in):
    # forward_in: in_transform(self_embed(self_words))
    vecs = jnp.take(embed, self_words, axis=0)          # [B, n_embed] gather
    out = vecs @ W_in.T + b_in                           # nn.Linear: x @ W^T + b
    return out

if __name__ == "__main__":
    import jax
    _d = setup_inputs()
    print(jax.jit(kernel)(*tuple(_d.values())))

</pallas_src>

<mosaic_0001>
#map = affine_map<(d0, d1) -> (0, 0)>
#map1 = affine_map<(d0, d1) -> (0)>
module attributes {stable_mosaic.version = 14 : i64} {
  func.func @k(%arg0: i32, %arg1: i32, %arg2: memref<507904x128xf32, #tpu.memory_space<hbm>>, %arg3: memref<16384xi32, #tpu.memory_space<hbm>>, %arg4: memref<16384x64xf32, #tpu.memory_space<hbm>>, %arg5: memref<528xi32, #tpu.memory_space<vmem>>, %arg6: memref<2x128x128xf32, #tpu.memory_space<vmem>>, %arg7: memref<512x64xf32, #tpu.memory_space<vmem>>, %arg8: memref<!tpu.dma_semaphore, #tpu.memory_space<semaphore_mem>>, %arg9: memref<!tpu.dma_semaphore, #tpu.memory_space<semaphore_mem>>) attributes {dimension_semantics = [#tpu.dimension_semantics<core_parallel>, #tpu.dimension_semantics<subcore_parallel>], iteration_bounds = array<i64: 2, 16>, scalar_prefetch = 0 : i64, scratch_operands = 5 : i64, tpu.core_type = #tpu.core_type<sc_vector_subcore>, window_params = [{transform_indices = #map}, {transform_indices = #map1}, {transform_indices = #map}]} {
    %mul3A = arith.constant 2 : i32
    %mul3A_0 = arith.muli %arg1, %mul3A : i32
    %add3A = arith.addi %mul3A_0, %arg0 : i32
    %mul3A_1 = arith.constant 512 : i32
    %mul3A_2 = arith.muli %add3A, %mul3A_1 : i32
    "tpu.region"() ({
      %run_scoped3A = tpu.sem_alloc : memref<!tpu.dma_semaphore, #tpu.memory_space<semaphore_mem>>
      %dma_start3A = arith.constant 0 : i32
      %dma_start3A_117 = tpu.memref_slice %arg5[%dma_start3A] : memref<528xi32, #tpu.memory_space<vmem>> -> memref<512xi32, #tpu.memory_space<vmem>>
      %dma_start3A_118 = tpu.memref_slice %arg3[%mul3A_2] : memref<16384xi32, #tpu.memory_space<hbm>> -> memref<512xi32, #tpu.memory_space<hbm>>
      %dma_start3A_119 = arith.constant 0 : i32
      %dma_start3A_120 = tpu.memref_slice %arg5[%dma_start3A_119] : memref<528xi32, #tpu.memory_space<vmem>> -> memref<512xi32, #tpu.memory_space<vmem>>
      %dma_start3A_121 = tpu.memref_slice %arg3[%mul3A_2] : memref<16384xi32, #tpu.memory_space<hbm>> -> memref<512xi32, #tpu.memory_space<hbm>>
      tpu.enqueue_dma source(%dma_start3A_121 : memref<512xi32, #tpu.memory_space<hbm>>) target(%dma_start3A_120 : memref<512xi32, #tpu.memory_space<vmem>>) target_semaphore(%run_scoped3A : memref<!tpu.dma_semaphore, #tpu.memory_space<semaphore_mem>>)
      %dma_wait3A_122 = arith.constant 0 : i32
      %dma_wait3A_123 = tpu.memref_slice %arg5[%dma_wait3A_122] : memref<528xi32, #tpu.memory_space<vmem>> -> memref<512xi32, #tpu.memory_space<vmem>>
      %dma_wait3A_124 = tpu.memref_slice %arg3[%mul3A_2] : memref<16384xi32, #tpu.memory_space<hbm>> -> memref<512xi32, #tpu.memory_space<hbm>>
      %dma_wait3A_125 = arith.constant 0 : i32
      %dma_wait3A_126 = tpu.memref_slice %arg5[%dma_wait3A_125] : memref<528xi32, #tpu.memory_space<vmem>> -> memref<512xi32, #tpu.memory_space<vmem>>
      %dma_wait3A_127 = tpu.memref_slice %arg3[%mul3A_2] : memref<16384xi32, #tpu.memory_space<hbm>> -> memref<512xi32, #tpu.memory_space<hbm>>
      tpu.wait_dma2 semaphore(%run_scoped3A : memref<!tpu.dma_semaphore, #tpu.memory_space<semaphore_mem>>) src(%dma_wait3A_127 : memref<512xi32, #tpu.memory_space<hbm>>) dst(%dma_wait3A_126 : memref<512xi32, #tpu.memory_space<vmem>>)
      tpu.yield
    }) : () -> ()
    %scan3A = arith.constant 0 : i32
    %scan3A_3 = arith.constant 0 : i32
    %scan3A_4 = arith.constant 128 : i32
    %scan3A_5 = arith.addi %scan3A_3, %scan3A_4 : i32
    %scan3A_6 = arith.constant 1 : i32
    %scan3A_7 = scf.for %scan3A_117 = %scan3A_3 to %scan3A_5 step %scan3A_6 iter_args(%scan3A_118 = %scan3A) -> (i32)  : i32 {
      %add3A_119 = arith.constant 0 : i32
      %add3A_120 = arith.addi %add3A_119, %scan3A_117 : i32
      %get3A = arith.index_cast %add3A_120 : i32 to index
      %get3A_121 = tpu.vector_load %arg5[%get3A] {strides = array<i32>} : memref<528xi32, #tpu.memory_space<vmem>>, vector<16xi32>,
      %get3A_122 = vector.shape_cast %get3A_121 : vector<16xi32> to vector<16xi32>
      %slice3A = vector.extract_strided_slice %get3A_122 {offsets = [0], sizes = [1], strides = [1]} : vector<16xi32> to vector<1xi32>
      %squeeze3A = vector.extract %slice3A[0] : i32 from vector<1xi32>
      %shift_right_logical3A = arith.constant 15 : i32
      %shift_right_logical3A_123 = arith.shrui %squeeze3A, %shift_right_logical3A : i32
      %and3A = arith.constant 32767 : i32
      %and3A_124 = arith.andi %squeeze3A, %and3A : i32
      %shift_left3A = arith.constant 14 : i32
      %shift_left3A_125 = arith.shli %shift_right_logical3A_123, %shift_left3A : i32
      %and3A_126 = arith.constant 16383 : i32
      %and3A_127 = arith.andi %and3A_124, %and3A_126 : i32
      %or3A = arith.ori %shift_left3A_125, %and3A_127 : i32
      %dma_start3A = arith.constant 0 : i32
      %dma_start3A_128 = arith.constant 0 : i32
      %dma_start3A_129 = arith.constant 0 : i32
      %dma_start3A_130 = tpu.memref_slice %arg6[%dma_start3A, %dma_start3A_128, %dma_start3A_129] : memref<2x128x128xf32, #tpu.memory_space<vmem>> -> memref<1x128x128xf32, #tpu.memory_space<vmem>>
      %dma_start3A_131 = tpu.memref_squeeze %dma_start3A_130 : memref<1x128x128xf32, #tpu.memory_space<vmem>> -> memref<128x128xf32, #tpu.memory_space<vmem>>
      %dma_start3A_132 = arith.constant 0 : i32
      %dma_start3A_133 = tpu.memref_slice %dma_start3A_131[%scan3A_117, %dma_start3A_132] : memref<128x128xf32, #tpu.memory_space<vmem>> -> memref<1x128xf32, #tpu.memory_space<vmem>>
      %dma_start3A_134 = tpu.memref_squeeze %dma_start3A_133 : memref<1x128xf32, #tpu.memory_space<vmem>> -> memref<128xf32, #tpu.memory_space<vmem>>
      %dma_start3A_135 = arith.constant 0 : i32
      %dma_start3A_136 = tpu.memref_slice %arg2[%or3A, %dma_start3A_135] : memref<507904x128xf32, #tpu.memory_space<hbm>> -> memref<1x128xf32, #tpu.memory_space<hbm>>
      %dma_start3A_137 = tpu.memref_squeeze %dma_start3A_136 : memref<1x128xf32, #tpu.memory_space<hbm>> -> memref<128xf32, #tpu.memory_space<hbm>>
      %dma_start3A_138 = arith.constant 0 : i32
      %dma_start3A_139 = arith.constant 0 : i32
      %dma_start3A_140 = tpu.memref_slice %arg6[%dma_start3A, %dma_start3A_138, %dma_start3A_139] : memref<2x128x128xf32, #tpu.memory_space<vmem>> -> memref<1x128x128xf32, #tpu.memory_space<vmem>>
      %dma_start3A_141 = tpu.memref_squeeze %dma_start3A_140 : memref<1x128x128xf32, #tpu.memory_space<vmem>> -> memref<128x128xf32, #tpu.memory_space<vmem>>
      %dma_start3A_142 = arith.constant 0 : i32
      %dma_start3A_143 = tpu.memref_slice %dma_start3A_141[%scan3A_117, %dma_start3A_142] : memref<128x128xf32, #tpu.memory_space<vmem>> -> memref<1x128xf32, #tpu.memory_space<vmem>>
      %dma_start3A_144 = tpu.memref_squeeze %dma_start3A_143 : memref<1x128xf32, #tpu.memory_space<vmem>> -> memref<128xf32, #tpu.memory_space<vmem>>
      %dma_start3A_145 = arith.constant 0 : i32
      %dma_start3A_146 = tpu.memref_slice %arg2[%or3A, %dma_start3A_145] : memref<507904x128xf32, #tpu.memory_space<hbm>> -> memref<1x128xf32, #tpu.memory_space<hbm>>
      %dma_start3A_147 = tpu.memref_squeeze %dma_start3A_146 : memref<1x128xf32, #tpu.memory_space<hbm>> -> memref<128xf32, #tpu.memory_space<hbm>>
      tpu.enqueue_dma source(%dma_start3A_147 : memref<128xf32, #tpu.memory_space<hbm>>) target(%dma_start3A_144 : memref<128xf32, #tpu.memory_space<vmem>>) target_semaphore(%arg8 : memref<!tpu.dma_semaphore, #tpu.memory_space<semaphore_mem>>)
      %scan3A_148 = arith.constant 0 : i32
      scf.yield %scan3A_148 : i32
    }
    %scan3A_8 = arith.constant 128 : i32
    %scan3A_9 = arith.constant 0 : i32
    %scan3A_10 = arith.constant 0 : i32
    %scan3A_11 = arith.constant 128 : i32
    %scan3A_12 = arith.addi %scan3A_10, %scan3A_11 : i32
    %scan3A_13 = arith.constant 1 : i32
    %scan3A_14 = scf.for %scan3A_117 = %scan3A_10 to %scan3A_12 step %scan3A_13 iter_args(%scan3A_118 = %scan3A_9) -> (i32)  : i32 {
      %add3A_119 = arith.constant 128 : i32
      %add3A_120 = arith.addi %add3A_119, %scan3A_117 : i32
      %get3A = arith.index_cast %add3A_120 : i32 to index
      %get3A_121 = tpu.vector_load %arg5[%get3A] {strides = array<i32>} : memref<528xi32, #tpu.memory_space<vmem>>, vector<16xi32>,
      %get3A_122 = vector.shape_cast %get3A_121 : vector<16xi32> to vector<16xi32>
      %slice3A = vector.extract_strided_slice %get3A_122 {offsets = [0], sizes = [1], strides = [1]} : vector<16xi32> to vector<1xi32>
      %squeeze3A = vector.extract %slice3A[0] : i32 from vector<1xi32>
      %shift_right_logical3A = arith.constant 15 : i32
      %shift_right_logical3A_123 = arith.shrui %squeeze3A, %shift_right_logical3A : i32
      %and3A = arith.constant 32767 : i32
      %and3A_124 = arith.andi %squeeze3A, %and3A : i32
      %shift_left3A = arith.constant 14 : i32
      %shift_left3A_125 = arith.shli %shift_right_logical3A_123, %shift_left3A : i32
      %and3A_126 = arith.constant 16383 : i32
      %and3A_127 = arith.andi %and3A_124, %and3A_126 : i32
      %or3A = arith.ori %shift_left3A_125, %and3A_127 : i32
      %dma_start3A = arith.constant 1 : i32
      %dma_start3A_128 = arith.constant 0 : i32
      %dma_start3A_129 = arith.constant 0 : i32
      %dma_start3A_130 = tpu.memref_slice %arg6[%dma_start3A, %dma_start3A_128, %dma_start3A_129] : memref<2x128x128xf32, #tpu.memory_space<vmem>> -> memref<1x128x128xf32, #tpu.memory_space<vmem>>
      %dma_start3A_131 = tpu.memref_squeeze %dma_start3A_130 : memref<1x128x128xf32, #tpu.memory_space<vmem>> -> memref<128x128xf32, #tpu.memory_space<vmem>>
      %dma_start3A_132 = arith.constant 0 : i32
      %dma_start3A_133 = tpu.memref_slice %dma_start3A_131[%scan3A_117, %dma_start3A_132] : memref<128x128xf32, #tpu.memory_space<vmem>> -> memref<1x128xf32, #tpu.memory_space<vmem>>
      %dma_start3A_134 = tpu.memref_squeeze %dma_start3A_133 : memref<1x128xf32, #tpu.memory_space<vmem>> -> memref<128xf32, #tpu.memory_space<vmem>>
      %dma_start3A_135 = arith.constant 0 : i32
      %dma_start3A_136 = tpu.memref_slice %arg2[%or3A, %dma_start3A_135] : memref<507904x128xf32, #tpu.memory_space<hbm>> -> memref<1x128xf32, #tpu.memory_space<hbm>>
      %dma_start3A_137 = tpu.memref_squeeze %dma_start3A_136 : memref<1x128xf32, #tpu.memory_space<hbm>> -> memref<128xf32, #tpu.memory_space<hbm>>
      %dma_start3A_138 = arith.constant 0 : i32
      %dma_start3A_139 = arith.constant 0 : i32
      %dma_start3A_140 = tpu.memref_slice %arg6[%dma_start3A, %dma_start3A_138, %dma_start3A_139] : memref<2x128x128xf32, #tpu.memory_space<vmem>> -> memref<1x128x128xf32, #tpu.memory_space<vmem>>
      %dma_start3A_141 = tpu.memref_squeeze %dma_start3A_140 : memref<1x128x128xf32, #tpu.memory_space<vmem>> -> memref<128x128xf32, #tpu.memory_space<vmem>>
      %dma_start3A_142 = arith.constant 0 : i32
      %dma_start3A_143 = tpu.memref_slice %dma_start3A_141[%scan3A_117, %dma_start3A_142] : memref<128x128xf32, #tpu.memory_space<vmem>> -> memref<1x128xf32, #tpu.memory_space<vmem>>
      %dma_start3A_144 = tpu.memref_squeeze %dma_start3A_143 : memref<1x128xf32, #tpu.memory_space<vmem>> -> memref<128xf32, #tpu.memory_space<vmem>>
      %dma_start3A_145 = arith.constant 0 : i32
      %dma_start3A_146 = tpu.memref_slice %arg2[%or3A, %dma_start3A_145] : memref<507904x128xf32, #tpu.memory_space<hbm>> -> memref<1x128xf32, #tpu.memory_space<hbm>>
      %dma_start3A_147 = tpu.memref_squeeze %dma_start3A_146 : memref<1x128xf32, #tpu.memory_space<hbm>> -> memref<128xf32, #tpu.memory_space<hbm>>
      tpu.enqueue_dma source(%dma_start3A_147 : memref<128xf32, #tpu.memory_space<hbm>>) target(%dma_start3A_144 : memref<128xf32, #tpu.memory_space<vmem>>) target_semaphore(%arg9 : memref<!tpu.dma_semaphore, #tpu.memory_space<semaphore_mem>>)
      %scan3A_148 = arith.constant 0 : i32
      scf.yield %scan3A_148 : i32
    }
    %scan3A_15 = arith.constant 128 : i32
    %dma_wait3A = arith.constant 0 : i32
    %dma_wait3A_16 = arith.constant 0 : i32
    %dma_wait3A_17 = arith.constant 0 : i32
    %dma_wait3A_18 = tpu.memref_slice %arg6[%dma_wait3A, %dma_wait3A_16, %dma_wait3A_17] : memref<2x128x128xf32, #tpu.memory_space<vmem>> -> memref<1x128x128xf32, #tpu.memory_space<vmem>>
    %dma_wait3A_19 = tpu.memref_squeeze %dma_wait3A_18 : memref<1x128x128xf32, #tpu.memory_space<vmem>> -> memref<128x128xf32, #tpu.memory_space<vmem>>
    %dma_wait3A_20 = arith.constant 0 : i32
    %dma_wait3A_21 = arith.constant 0 : i32
    %dma_wait3A_22 = tpu.memref_slice %arg2[%dma_wait3A_20, %dma_wait3A_21] : memref<507904x128xf32, #tpu.memory_space<hbm>> -> memref<128x128xf32, #tpu.memory_space<hbm>>
    %dma_wait3A_23 = arith.constant 0 : i32
    %dma_wait3A_24 = arith.constant 0 : i32
    %dma_wait3A_25 = tpu.memref_slice %arg6[%dma_wait3A, %dma_wait3A_23, %dma_wait3A_24] : memref<2x128x128xf32, #tpu.memory_space<vmem>> -> memref<1x128x128xf32, #tpu.memory_space<vmem>>
    %dma_wait3A_26 = tpu.memref_squeeze %dma_wait3A_25 : memref<1x128x128xf32, #tpu.memory_space<vmem>> -> memref<128x128xf32, #tpu.memory_space<vmem>>
    %dma_wait3A_27 = arith.constant 0 : i32
    %dma_wait3A_28 = arith.constant 0 : i32
    %dma_wait3A_29 = tpu.memref_slice %arg2[%dma_wait3A_27, %dma_wait3A_28] : memref<507904x128xf32, #tpu.memory_space<hbm>> -> memref<128x128xf32, #tpu.memory_space<hbm>>
    tpu.wait_dma2 semaphore(%arg8 : memref<!tpu.dma_semaphore, #tpu.memory_space<semaphore_mem>>) src(%dma_wait3A_29 : memref<128x128xf32, #tpu.memory_space<hbm>>) dst(%dma_wait3A_26 : memref<128x128xf32, #tpu.memory_space<vmem>>)
    %scan3A_30 = arith.constant 0 : i32
    %scan3A_31 = arith.constant 0 : i32
    %scan3A_32 = arith.constant 128 : i32
    %scan3A_33 = arith.addi %scan3A_31, %scan3A_32 : i32
    %scan3A_34 = arith.constant 1 : i32
    %scan3A_35 = scf.for %scan3A_117 = %scan3A_31 to %scan3A_33 step %scan3A_34 iter_args(%scan3A_118 = %scan3A_30) -> (i32)  : i32 {
      %add3A_119 = arith.constant 0 : i32
      %add3A_120 = arith.addi %add3A_119, %scan3A_117 : i32
      %get3A = arith.index_cast %add3A_120 : i32 to index
      %get3A_121 = tpu.vector_load %arg5[%get3A] {strides = array<i32>} : memref<528xi32, #tpu.memory_space<vmem>>, vector<16xi32>,
      %get3A_122 = vector.shape_cast %get3A_121 : vector<16xi32> to vector<16xi32>
      %slice3A = vector.extract_strided_slice %get3A_122 {offsets = [0], sizes = [1], strides = [1]} : vector<16xi32> to vector<1xi32>
      %squeeze3A = vector.extract %slice3A[0] : i32 from vector<1xi32>
      %shift_right_logical3A = arith.constant 14 : i32
      %shift_right_logical3A_123 = arith.shrui %squeeze3A, %shift_right_logical3A : i32
      %and3A = arith.constant 1 : i32
      %and3A_124 = arith.andi %shift_right_logical3A_123, %and3A : i32
      %mul3A_125 = arith.constant 64 : i32
      %mul3A_126 = arith.muli %and3A_124, %mul3A_125 : i32
      %add3A_127 = arith.constant 0 : i32
      %add3A_128 = arith.addi %mul3A_126, %add3A_127 : i32
      %get3A_129 = arith.constant 0 : i32
      %get3A_130 = arith.index_cast %get3A_129 : i32 to index
      %get3A_131 = arith.index_cast %scan3A_117 : i32 to index
      %get3A_132 = arith.index_cast %add3A_128 : i32 to index
      %get3A_133 = tpu.vector_load %arg6[%get3A_130, %get3A_131, %get3A_132] {strides = array<i32>} : memref<2x128x128xf32, #tpu.memory_space<vmem>>, vector<1x1x16xf32>,
      %get3A_134 = vector.shape_cast %get3A_133 : vector<1x1x16xf32> to vector<16xf32>
      %add3A_135 = arith.constant 0 : i32
      %add3A_136 = arith.addi %add3A_135, %scan3A_117 : i32
      %swap3A = arith.index_cast %add3A_136 : i32 to index
      %swap3A_137 = arith.constant 0 : index
      %swap3A_138 = tpu.vector_load %arg7[%swap3A, %swap3A_137] {strides = array<i32>} : memref<512x64xf32, #tpu.memory_space<vmem>>, vector<1x16xf32>,
      %swap3A_139 = vector.shape_cast %swap3A_138 : vector<1x16xf32> to vector<16xf32>
      %swap3A_140 = vector.shape_cast %get3A_134 : vector<16xf32> to vector<1x16xf32>
      tpu.vector_store %arg7[%swap3A, %swap3A_137], %swap3A_140 {strides = array<i32>} : memref<512x64xf32, #tpu.memory_space<vmem>>, vector<1x16xf32>,
      %add3A_141 = arith.constant 16 : i32
      %add3A_142 = arith.addi %mul3A_126, %add3A_141 : i32
      %get3A_143 = arith.constant 0 : i32
      %get3A_144 = arith.index_cast %get3A_143 : i32 to index
      %get3A_145 = arith.index_cast %scan3A_117 : i32 to index
      %get3A_146 = arith.index_cast %add3A_142 : i32 to index
      %get3A_147 = tpu.vector_load %arg6[%get3A_144, %get3A_145, %get3A_146] {strides = array<i32>} : memref<2x128x128xf32, #tpu.memory_space<vmem>>, vector<1x1x16xf32>,
      %get3A_148 = vector.shape_cast %get3A_147 : vector<1x1x16xf32> to vector<16xf32>
      %add3A_149 = arith.constant 0 : i32
      %add3A_150 = arith.addi %add3A_149, %scan3A_117 : i32
      %swap3A_151 = arith.index_cast %add3A_150 : i32 to index
      %swap3A_152 = arith.constant 16 : index
      %swap3A_153 = tpu.vector_load %arg7[%swap3A_151, %swap3A_152] {strides = array<i32>} : memref<512x64xf32, #tpu.memory_space<vmem>>, vector<1x16xf32>,
      %swap3A_154 = vector.shape_cast %swap3A_153 : vector<1x16xf32> to vector<16xf32>
      %swap3A_155 = vector.shape_cast %get3A_148 : vector<16xf32> to vector<1x16xf32>
      tpu.vector_store %arg7[%swap3A_151, %swap3A_152], %swap3A_155 {strides = array<i32>} : memref<512x64xf32, #tpu.memory_space<vmem>>, vector<1x16xf32>,
      %add3A_156 = arith.constant 32 : i32
      %add3A_157 = arith.addi %mul3A_126, %add3A_156 : i32
      %get3A_158 = arith.constant 0 : i32
      %get3A_159 = arith.index_cast %get3A_158 : i32 to index
      %get3A_160 = arith.index_cast %scan3A_117 : i32 to index
      %get3A_161 = arith.index_cast %add3A_157 : i32 to index
      %get3A_162 = tpu.vector_load %arg6[%get3A_159, %get3A_160, %get3A_161] {strides = array<i32>} : memref<2x128x128xf32, #tpu.memory_space<vmem>>, vector<1x1x16xf32>,
      %get3A_163 = vector.shape_cast %get3A_162 : vector<1x1x16xf32> to vector<16xf32>
      %add3A_164 = arith.constant 0 : i32
      %add3A_165 = arith.addi %add3A_164, %scan3A_117 : i32
      %swap3A_166 = arith.index_cast %add3A_165 : i32 to index
      %swap3A_167 = arith.constant 32 : index
      %swap3A_168 = tpu.vector_load %arg7[%swap3A_166, %swap3A_167] {strides = array<i32>} : memref<512x64xf32, #tpu.memory_space<vmem>>, vector<1x16xf32>,
      %swap3A_169 = vector.shape_cast %swap3A_168 : vector<1x16xf32> to vector<16xf32>
      %swap3A_170 = vector.shape_cast %get3A_163 : vector<16xf32> to vector<1x16xf32>
      tpu.vector_store %arg7[%swap3A_166, %swap3A_167], %swap3A_170 {strides = array<i32>} : memref<512x64xf32, #tpu.memory_space<vmem>>, vector<1x16xf32>,
      %add3A_171 = arith.constant 48 : i32
      %add3A_172 = arith.addi %mul3A_126, %add3A_171 : i32
      %get3A_173 = arith.constant 0 : i32
      %get3A_174 = arith.index_cast %get3A_173 : i32 to index
      %get3A_175 = arith.index_cast %scan3A_117 : i32 to index
      %get3A_176 = arith.index_cast %add3A_172 : i32 to index
      %get3A_177 = tpu.vector_load %arg6[%get3A_174, %get3A_175, %get3A_176] {strides = array<i32>} : memref<2x128x128xf32, #tpu.memory_space<vmem>>, vector<1x1x16xf32>,
      %get3A_178 = vector.shape_cast %get3A_177 : vector<1x1x16xf32> to vector<16xf32>
      %add3A_179 = arith.constant 0 : i32
      %add3A_180 = arith.addi %add3A_179, %scan3A_117 : i32
      %swap3A_181 = arith.index_cast %add3A_180 : i32 to index
      %swap3A_182 = arith.constant 48 : index
      %swap3A_183 = tpu.vector_load %arg7[%swap3A_181, %swap3A_182] {strides = array<i32>} : memref<512x64xf32, #tpu.memory_space<vmem>>, vector<1x16xf32>,
      %swap3A_184 = vector.shape_cast %swap3A_183 : vector<1x16xf32> to vector<16xf32>
      %swap3A_185 = vector.shape_cast %get3A_178 : vector<16xf32> to vector<1x16xf32>
      tpu.vector_store %arg7[%swap3A_181, %swap3A_182], %swap3A_185 {strides = array<i32>} : memref<512x64xf32, #tpu.memory_space<vmem>>, vector<1x16xf32>,
      %scan3A_186 = arith.constant 0 : i32
      scf.yield %scan3A_186 : i32
    }
    %scan3A_36 = arith.constant 128 : i32
    %scan3A_37 = arith.constant 0 : i32
    %scan3A_38 = arith.constant 0 : i32
    %scan3A_39 = arith.constant 128 : i32
    %scan3A_40 = arith.addi %scan3A_38, %scan3A_39 : i32
    %scan3A_41 = arith.constant 1 : i32
    %scan3A_42 = scf.for %scan3A_117 = %scan3A_38 to %scan3A_40 step %scan3A_41 iter_args(%scan3A_118 = %scan3A_37) -> (i32)  : i32 {
      %add3A_119 = arith.constant 256 : i32
      %add3A_120 = arith.addi %add3A_119, %scan3A_117 : i32
      %get3A = arith.index_cast %add3A_120 : i32 to index
      %get3A_121 = tpu.vector_load %arg5[%get3A] {strides = array<i32>} : memref<528xi32, #tpu.memory_space<vmem>>, vector<16xi32>,
      %get3A_122 = vector.shape_cast %get3A_121 : vector<16xi32> to vector<16xi32>
      %slice3A = vector.extract_strided_slice %get3A_122 {offsets = [0], sizes = [1], strides = [1]} : vector<16xi32> to vector<1xi32>
      %squeeze3A = vector.extract %slice3A[0] : i32 from vector<1xi32>
      %shift_right_logical3A = arith.constant 15 : i32
      %shift_right_logical3A_123 = arith.shrui %squeeze3A, %shift_right_logical3A : i32
      %and3A = arith.constant 32767 : i32
      %and3A_124 = arith.andi %squeeze3A, %and3A : i32
      %shift_left3A = arith.constant 14 : i32
      %shift_left3A_125 = arith.shli %shift_right_logical3A_123, %shift_left3A : i32
      %and3A_126 = arith.constant 16383 : i32
      %and3A_127 = arith.andi %and3A_124, %and3A_126 : i32
      %or3A = arith.ori %shift_left3A_125, %and3A_127 : i32
      %dma_start3A = arith.constant 0 : i32
      %dma_start3A_128 = arith.constant 0 : i32
      %dma_start3A_129 = arith.constant 0 : i32
      %dma_start3A_130 = tpu.memref_slice %arg6[%dma_start3A, %dma_start3A_128, %dma_start3A_129] : memref<2x128x128xf32, #tpu.memory_space<vmem>> -> memref<1x128x128xf32, #tpu.memory_space<vmem>>
      %dma_start3A_131 = tpu.memref_squeeze %dma_start3A_130 : memref<1x128x128xf32, #tpu.memory_space<vmem>> -> memref<128x128xf32, #tpu.memory_space<vmem>>
      %dma_start3A_132 = arith.constant 0 : i32
      %dma_start3A_133 = tpu.memref_slice %dma_start3A_131[%scan3A_117, %dma_start3A_132] : memref<128x128xf32, #tpu.memory_space<vmem>> -> memref<1x128xf32, #tpu.memory_space<vmem>>
      %dma_start3A_134 = tpu.memref_squeeze %dma_start3A_133 : memref<1x128xf32, #tpu.memory_space<vmem>> -> memref<128xf32, #tpu.memory_space<vmem>>
      %dma_start3A_135 = arith.constant 0 : i32
      %dma_start3A_136 = tpu.memref_slice %arg2[%or3A, %dma_start3A_135] : memref<507904x128xf32, #tpu.memory_space<hbm>> -> memref<1x128xf32, #tpu.memory_space<hbm>>
      %dma_start3A_137 = tpu.memref_squeeze %dma_start3A_136 : memref<1x128xf32, #tpu.memory_space<hbm>> -> memref<128xf32, #tpu.memory_space<hbm>>
      %dma_start3A_138 = arith.constant 0 : i32
      %dma_start3A_139 = arith.constant 0 : i32
      %dma_start3A_140 = tpu.memref_slice %arg6[%dma_start3A, %dma_start3A_138, %dma_start3A_139] : memref<2x128x128xf32, #tpu.memory_space<vmem>> -> memref<1x128x128xf32, #tpu.memory_space<vmem>>
      %dma_start3A_141 = tpu.memref_squeeze %dma_start3A_140 : memref<1x128x128xf32, #tpu.memory_space<vmem>> -> memref<128x128xf32, #tpu.memory_space<vmem>>
      %dma_start3A_142 = arith.constant 0 : i32
      %dma_start3A_143 = tpu.memref_slice %dma_start3A_141[%scan3A_117, %dma_start3A_142] : memref<128x128xf32, #tpu.memory_space<vmem>> -> memref<1x128xf32, #tpu.memory_space<vmem>>
      %dma_start3A_144 = tpu.memref_squeeze %dma_start3A_143 : memref<1x128xf32, #tpu.memory_space<vmem>> -> memref<128xf32, #tpu.memory_space<vmem>>
      %dma_start3A_145 = arith.constant 0 : i32
      %dma_start3A_146 = tpu.memref_slice %arg2[%or3A, %dma_start3A_145] : memref<507904x128xf32, #tpu.memory_space<hbm>> -> memref<1x128xf32, #tpu.memory_space<hbm>>
      %dma_start3A_147 = tpu.memref_squeeze %dma_start3A_146 : memref<1x128xf32, #tpu.memory_space<hbm>> -> memref<128xf32, #tpu.memory_space<hbm>>
      tpu.enqueue_dma source(%dma_start3A_147 : memref<128xf32, #tpu.memory_space<hbm>>) target(%dma_start3A_144 : memref<128xf32, #tpu.memory_space<vmem>>) target_semaphore(%arg8 : memref<!tpu.dma_semaphore, #tpu.memory_space<semaphore_mem>>)
      %scan3A_148 = arith.constant 0 : i32
      scf.yield %scan3A_148 : i32
    }
    %scan3A_43 = arith.constant 128 : i32
    %dma_wait3A_44 = arith.constant 1 : i32
    %dma_wait3A_45 = arith.constant 0 : i32
    %dma_wait3A_46 = arith.constant 0 : i32
    %dma_wait3A_47 = tpu.memref_slice %arg6[%dma_wait3A_44, %dma_wait3A_45, %dma_wait3A_46] : memref<2x128x128xf32, #tpu.memory_space<vmem>> -> memref<1x128x128xf32, #tpu.memory_space<vmem>>
    %dma_wait3A_48 = tpu.memref_squeeze %dma_wait3A_47 : memref<1x128x128xf32, #tpu.memory_space<vmem>> -> memref<128x128xf32, #tpu.memory_space<vmem>>
    %dma_wait3A_49 = arith.constant 0 : i32
    %dma_wait3A_50 = arith.constant 0 : i32
    %dma_wait3A_51 = tpu.memref_slice %arg2[%dma_wait3A_49, %dma_wait3A_50] : memref<507904x128xf32, #tpu.memory_space<hbm>> -> memref<128x128xf32, #tpu.memory_space<hbm>>
    %dma_wait3A_52 = arith.constant 0 : i32
    %dma_wait3A_53 = arith.constant 0 : i32
    %dma_wait3A_54 = tpu.memref_slice %arg6[%dma_wait3A_44, %dma_wait3A_52, %dma_wait3A_53] : memref<2x128x128xf32, #tpu.memory_space<vmem>> -> memref<1x128x128xf32, #tpu.memory_space<vmem>>
    %dma_wait3A_55 = tpu.memref_squeeze %dma_wait3A_54 : memref<1x128x128xf32, #tpu.memory_space<vmem>> -> memref<128x128xf32, #tpu.memory_space<vmem>>
    %dma_wait3A_56 = arith.constant 0 : i32
    %dma_wait3A_57 = arith.constant 0 : i32
    %dma_wait3A_58 = tpu.memref_slice %arg2[%dma_wait3A_56, %dma_wait3A_57] : memref<507904x128xf32, #tpu.memory_space<hbm>> -> memref<128x128xf32, #tpu.memory_space<hbm>>
    tpu.wait_dma2 semaphore(%arg9 : memref<!tpu.dma_semaphore, #tpu.memory_space<semaphore_mem>>) src(%dma_wait3A_58 : memref<128x128xf32, #tpu.memory_space<hbm>>) dst(%dma_wait3A_55 : memref<128x128xf32, #tpu.memory_space<vmem>>)
    %scan3A_59 = arith.constant 0 : i32
    %scan3A_60 = arith.constant 0 : i32
    %scan3A_61 = arith.constant 128 : i32
    %scan3A_62 = arith.addi %scan3A_60, %scan3A_61 : i32
    %scan3A_63 = arith.constant 1 : i32
    %scan3A_64 = scf.for %scan3A_117 = %scan3A_60 to %scan3A_62 step %scan3A_63 iter_args(%scan3A_118 = %scan3A_59) -> (i32)  : i32 {
      %add3A_119 = arith.constant 128 : i32
      %add3A_120 = arith.addi %add3A_119, %scan3A_117 : i32
      %get3A = arith.index_cast %add3A_120 : i32 to index
      %get3A_121 = tpu.vector_load %arg5[%get3A] {strides = array<i32>} : memref<528xi32, #tpu.memory_space<vmem>>, vector<16xi32>,
      %get3A_122 = vector.shape_cast %get3A_121 : vector<16xi32> to vector<16xi32>
      %slice3A = vector.extract_strided_slice %get3A_122 {offsets = [0], sizes = [1], strides = [1]} : vector<16xi32> to vector<1xi32>
      %squeeze3A = vector.extract %slice3A[0] : i32 from vector<1xi32>
      %shift_right_logical3A = arith.constant 14 : i32
      %shift_right_logical3A_123 = arith.shrui %squeeze3A, %shift_right_logical3A : i32
      %and3A = arith.constant 1 : i32
      %and3A_124 = arith.andi %shift_right_logical3A_123, %and3A : i32
      %mul3A_125 = arith.constant 64 : i32
      %mul3A_126 = arith.muli %and3A_124, %mul3A_125 : i32
      %add3A_127 = arith.constant 0 : i32
      %add3A_128 = arith.addi %mul3A_126, %add3A_127 : i32
      %get3A_129 = arith.constant 1 : i32
      %get3A_130 = arith.index_cast %get3A_129 : i32 to index
      %get3A_131 = arith.index_cast %scan3A_117 : i32 to index
      %get3A_132 = arith.index_cast %add3A_128 : i32 to index
      %get3A_133 = tpu.vector_load %arg6[%get3A_130, %get3A_131, %get3A_132] {strides = array<i32>} : memref<2x128x128xf32, #tpu.memory_space<vmem>>, vector<1x1x16xf32>,
      %get3A_134 = vector.shape_cast %get3A_133 : vector<1x1x16xf32> to vector<16xf32>
      %add3A_135 = arith.constant 128 : i32
      %add3A_136 = arith.addi %add3A_135, %scan3A_117 : i32
      %swap3A = arith.index_cast %add3A_136 : i32 to index
      %swap3A_137 = arith.constant 0 : index
      %swap3A_138 = tpu.vector_load %arg7[%swap3A, %swap3A_137] {strides = array<i32>} : memref<512x64xf32, #tpu.memory_space<vmem>>, vector<1x16xf32>,
      %swap3A_139 = vector.shape_cast %swap3A_138 : vector<1x16xf32> to vector<16xf32>
      %swap3A_140 = vector.shape_cast %get3A_134 : vector<16xf32> to vector<1x16xf32>
      tpu.vector_store %arg7[%swap3A, %swap3A_137], %swap3A_140 {strides = array<i32>} : memref<512x64xf32, #tpu.memory_space<vmem>>, vector<1x16xf32>,
      %add3A_141 = arith.constant 16 : i32
      %add3A_142 = arith.addi %mul3A_126, %add3A_141 : i32
      %get3A_143 = arith.constant 1 : i32
      %get3A_144 = arith.index_cast %get3A_143 : i32 to index
      %get3A_145 = arith.index_cast %scan3A_117 : i32 to index
      %get3A_146 = arith.index_cast %add3A_142 : i32 to index
      %get3A_147 = tpu.vector_load %arg6[%get3A_144, %get3A_145, %get3A_146] {strides = array<i32>} : memref<2x128x128xf32, #tpu.memory_space<vmem>>, vector<1x1x16xf32>,
      %get3A_148 = vector.shape_cast %get3A_147 : vector<1x1x16xf32> to vector<16xf32>
      %add3A_149 = arith.constant 128 : i32
      %add3A_150 = arith.addi %add3A_149, %scan3A_117 : i32
      %swap3A_151 = arith.index_cast %add3A_150 : i32 to index
      %swap3A_152 = arith.constant 16 : index
      %swap3A_153 = tpu.vector_load %arg7[%swap3A_151, %swap3A_152] {strides = array<i32>} : memref<512x64xf32, #tpu.memory_space<vmem>>, vector<1x16xf32>,
      %swap3A_154 = vector.shape_cast %swap3A_153 : vector<1x16xf32> to vector<16xf32>
      %swap3A_155 = vector.shape_cast %get3A_148 : vector<16xf32> to vector<1x16xf32>
      tpu.vector_store %arg7[%swap3A_151, %swap3A_152], %swap3A_155 {strides = array<i32>} : memref<512x64xf32, #tpu.memory_space<vmem>>, vector<1x16xf32>,
      %add3A_156 = arith.constant 32 : i32
      %add3A_157 = arith.addi %mul3A_126, %add3A_156 : i32
      %get3A_158 = arith.constant 1 : i32
      %get3A_159 = arith.index_cast %get3A_158 : i32 to index
      %get3A_160 = arith.index_cast %scan3A_117 : i32 to index
      %get3A_161 = arith.index_cast %add3A_157 : i32 to index
      %get3A_162 = tpu.vector_load %arg6[%get3A_159, %get3A_160, %get3A_161] {strides = array<i32>} : memref<2x128x128xf32, #tpu.memory_space<vmem>>, vector<1x1x16xf32>,
      %get3A_163 = vector.shape_cast %get3A_162 : vector<1x1x16xf32> to vector<16xf32>
      %add3A_164 = arith.constant 128 : i32
      %add3A_165 = arith.addi %add3A_164, %scan3A_117 : i32
      %swap3A_166 = arith.index_cast %add3A_165 : i32 to index
      %swap3A_167 = arith.constant 32 : index
      %swap3A_168 = tpu.vector_load %arg7[%swap3A_166, %swap3A_167] {strides = array<i32>} : memref<512x64xf32, #tpu.memory_space<vmem>>, vector<1x16xf32>,
      %swap3A_169 = vector.shape_cast %swap3A_168 : vector<1x16xf32> to vector<16xf32>
      %swap3A_170 = vector.shape_cast %get3A_163 : vector<16xf32> to vector<1x16xf32>
      tpu.vector_store %arg7[%swap3A_166, %swap3A_167], %swap3A_170 {strides = array<i32>} : memref<512x64xf32, #tpu.memory_space<vmem>>, vector<1x16xf32>,
      %add3A_171 = arith.constant 48 : i32
      %add3A_172 = arith.addi %mul3A_126, %add3A_171 : i32
      %get3A_173 = arith.constant 1 : i32
      %get3A_174 = arith.index_cast %get3A_173 : i32 to index
      %get3A_175 = arith.index_cast %scan3A_117 : i32 to index
      %get3A_176 = arith.index_cast %add3A_172 : i32 to index
      %get3A_177 = tpu.vector_load %arg6[%get3A_174, %get3A_175, %get3A_176] {strides = array<i32>} : memref<2x128x128xf32, #tpu.memory_space<vmem>>, vector<1x1x16xf32>,
      %get3A_178 = vector.shape_cast %get3A_177 : vector<1x1x16xf32> to vector<16xf32>
      %add3A_179 = arith.constant 128 : i32
      %add3A_180 = arith.addi %add3A_179, %scan3A_117 : i32
      %swap3A_181 = arith.index_cast %add3A_180 : i32 to index
      %swap3A_182 = arith.constant 48 : index
      %swap3A_183 = tpu.vector_load %arg7[%swap3A_181, %swap3A_182] {strides = array<i32>} : memref<512x64xf32, #tpu.memory_space<vmem>>, vector<1x16xf32>,
      %swap3A_184 = vector.shape_cast %swap3A_183 : vector<1x16xf32> to vector<16xf32>
      %swap3A_185 = vector.shape_cast %get3A_178 : vector<16xf32> to vector<1x16xf32>
      tpu.vector_store %arg7[%swap3A_181, %swap3A_182], %swap3A_185 {strides = array<i32>} : memref<512x64xf32, #tpu.memory_space<vmem>>, vector<1x16xf32>,
      %scan3A_186 = arith.constant 0 : i32
      scf.yield %scan3A_186 : i32
    }
    %scan3A_65 = arith.constant 128 : i32
    %scan3A_66 = arith.constant 0 : i32
    %scan3A_67 = arith.constant 0 : i32
    %scan3A_68 = arith.constant 128 : i32
    %scan3A_69 = arith.addi %scan3A_67, %scan3A_68 : i32
    %scan3A_70 = arith.constant 1 : i32
    %scan3A_71 = scf.for %scan3A_117 = %scan3A_67 to %scan3A_69 step %scan3A_70 iter_args(%scan3A_118 = %scan3A_66) -> (i32)  : i32 {
      %add3A_119 = arith.constant 384 : i32
      %add3A_120 = arith.addi %add3A_119, %scan3A_117 : i32
      %get3A = arith.index_cast %add3A_120 : i32 to index
      %get3A_121 = tpu.vector_load %arg5[%get3A] {strides = array<i32>} : memref<528xi32, #tpu.memory_space<vmem>>, vector<16xi32>,
      %get3A_122 = vector.shape_cast %get3A_121 : vector<16xi32> to vector<16xi32>
      %slice3A = vector.extract_strided_slice %get3A_122 {offsets = [0], sizes = [1], strides = [1]} : vector<16xi32> to vector<1xi32>
      %squeeze3A = vector.extract %slice3A[0] : i32 from vector<1xi32>
      %shift_right_logical3A = arith.constant 15 : i32
      %shift_right_logical3A_123 = arith.shrui %squeeze3A, %shift_right_logical3A : i32
      %and3A = arith.constant 32767 : i32
      %and3A_124 = arith.andi %squeeze3A, %and3A : i32
      %shift_left3A = arith.constant 14 : i32
      %shift_left3A_125 = arith.shli %shift_right_logical3A_123, %shift_left3A : i32
      %and3A_126 = arith.constant 16383 : i32
      %and3A_127 = arith.andi %and3A_124, %and3A_126 : i32
      %or3A = arith.ori %shift_left3A_125, %and3A_127 : i32
      %dma_start3A = arith.constant 1 : i32
      %dma_start3A_128 = arith.constant 0 : i32
      %dma_start3A_129 = arith.constant 0 : i32
      %dma_start3A_130 = tpu.memref_slice %arg6[%dma_start3A, %dma_start3A_128, %dma_start3A_129] : memref<2x128x128xf32, #tpu.memory_space<vmem>> -> memref<1x128x128xf32, #tpu.memory_space<vmem>>
      %dma_start3A_131 = tpu.memref_squeeze %dma_start3A_130 : memref<1x128x128xf32, #tpu.memory_space<vmem>> -> memref<128x128xf32, #tpu.memory_space<vmem>>
      %dma_start3A_132 = arith.constant 0 : i32
      %dma_start3A_133 = tpu.memref_slice %dma_start3A_131[%scan3A_117, %dma_start3A_132] : memref<128x128xf32, #tpu.memory_space<vmem>> -> memref<1x128xf32, #tpu.memory_space<vmem>>
      %dma_start3A_134 = tpu.memref_squeeze %dma_start3A_133 : memref<1x128xf32, #tpu.memory_space<vmem>> -> memref<128xf32, #tpu.memory_space<vmem>>
      %dma_start3A_135 = arith.constant 0 : i32
      %dma_start3A_136 = tpu.memref_slice %arg2[%or3A, %dma_start3A_135] : memref<507904x128xf32, #tpu.memory_space<hbm>> -> memref<1x128xf32, #tpu.memory_space<hbm>>
      %dma_start3A_137 = tpu.memref_squeeze %dma_start3A_136 : memref<1x128xf32, #tpu.memory_space<hbm>> -> memref<128xf32, #tpu.memory_space<hbm>>
      %dma_start3A_138 = arith.constant 0 : i32
      %dma_start3A_139 = arith.constant 0 : i32
      %dma_start3A_140 = tpu.memref_slice %arg6[%dma_start3A, %dma_start3A_138, %dma_start3A_139] : memref<2x128x128xf32, #tpu.memory_space<vmem>> -> memref<1x128x128xf32, #tpu.memory_space<vmem>>
      %dma_start3A_141 = tpu.memref_squeeze %dma_start3A_140 : memref<1x128x128xf32, #tpu.memory_space<vmem>> -> memref<128x128xf32, #tpu.memory_space<vmem>>
      %dma_start3A_142 = arith.constant 0 : i32
      %dma_start3A_143 = tpu.memref_slice %dma_start3A_141[%scan3A_117, %dma_start3A_142] : memref<128x128xf32, #tpu.memory_space<vmem>> -> memref<1x128xf32, #tpu.memory_space<vmem>>
      %dma_start3A_144 = tpu.memref_squeeze %dma_start3A_143 : memref<1x128xf32, #tpu.memory_space<vmem>> -> memref<128xf32, #tpu.memory_space<vmem>>
      %dma_start3A_145 = arith.constant 0 : i32
      %dma_start3A_146 = tpu.memref_slice %arg2[%or3A, %dma_start3A_145] : memref<507904x128xf32, #tpu.memory_space<hbm>> -> memref<1x128xf32, #tpu.memory_space<hbm>>
      %dma_start3A_147 = tpu.memref_squeeze %dma_start3A_146 : memref<1x128xf32, #tpu.memory_space<hbm>> -> memref<128xf32, #tpu.memory_space<hbm>>
      tpu.enqueue_dma source(%dma_start3A_147 : memref<128xf32, #tpu.memory_space<hbm>>) target(%dma_start3A_144 : memref<128xf32, #tpu.memory_space<vmem>>) target_semaphore(%arg9 : memref<!tpu.dma_semaphore, #tpu.memory_space<semaphore_mem>>)
      %scan3A_148 = arith.constant 0 : i32
      scf.yield %scan3A_148 : i32
    }
    %scan3A_72 = arith.constant 128 : i32
    %dma_wait3A_73 = arith.constant 0 : i32
    %dma_wait3A_74 = arith.constant 0 : i32
    %dma_wait3A_75 = arith.constant 0 : i32
    %dma_wait3A_76 = tpu.memref_slice %arg6[%dma_wait3A_73, %dma_wait3A_74, %dma_wait3A_75] : memref<2x128x128xf32, #tpu.memory_space<vmem>> -> memref<1x128x128xf32, #tpu.memory_space<vmem>>
    %dma_wait3A_77 = tpu.memref_squeeze %dma_wait3A_76 : memref<1x128x128xf32, #tpu.memory_space<vmem>> -> memref<128x128xf32, #tpu.memory_space<vmem>>
    %dma_wait3A_78 = arith.constant 0 : i32
    %dma_wait3A_79 = arith.constant 0 : i32
    %dma_wait3A_80 = tpu.memref_slice %arg2[%dma_wait3A_78, %dma_wait3A_79] : memref<507904x128xf32, #tpu.memory_space<hbm>> -> memref<128x128xf32, #tpu.memory_space<hbm>>
    %dma_wait3A_81 = arith.constant 0 : i32
    %dma_wait3A_82 = arith.constant 0 : i32
    %dma_wait3A_83 = tpu.memref_slice %arg6[%dma_wait3A_73, %dma_wait3A_81, %dma_wait3A_82] : memref<2x128x128xf32, #tpu.memory_space<vmem>> -> memref<1x128x128xf32, #tpu.memory_space<vmem>>
    %dma_wait3A_84 = tpu.memref_squeeze %dma_wait3A_83 : memref<1x128x128xf32, #tpu.memory_space<vmem>> -> memref<128x128xf32, #tpu.memory_space<vmem>>
    %dma_wait3A_85 = arith.constant 0 : i32
    %dma_wait3A_86 = arith.constant 0 : i32
    %dma_wait3A_87 = tpu.memref_slice %arg2[%dma_wait3A_85, %dma_wait3A_86] : memref<507904x128xf32, #tpu.memory_space<hbm>> -> memref<128x128xf32, #tpu.memory_space<hbm>>
    tpu.wait_dma2 semaphore(%arg8 : memref<!tpu.dma_semaphore, #tpu.memory_space<semaphore_mem>>) src(%dma_wait3A_87 : memref<128x128xf32, #tpu.memory_space<hbm>>) dst(%dma_wait3A_84 : memref<128x128xf32, #tpu.memory_space<vmem>>)
    %scan3A_88 = arith.constant 0 : i32
    %scan3A_89 = arith.constant 0 : i32
    %scan3A_90 = arith.constant 128 : i32
    %scan3A_91 = arith.addi %scan3A_89, %scan3A_90 : i32
    %scan3A_92 = arith.constant 1 : i32
    %scan3A_93 = scf.for %scan3A_117 = %scan3A_89 to %scan3A_91 step %scan3A_92 iter_args(%scan3A_118 = %scan3A_88) -> (i32)  : i32 {
      %add3A_119 = arith.constant 256 : i32
      %add3A_120 = arith.addi %add3A_119, %scan3A_117 : i32
      %get3A = arith.index_cast %add3A_120 : i32 to index
      %get3A_121 = tpu.vector_load %arg5[%get3A] {strides = array<i32>} : memref<528xi32, #tpu.memory_space<vmem>>, vector<16xi32>,
      %get3A_122 = vector.shape_cast %get3A_121 : vector<16xi32> to vector<16xi32>
      %slice3A = vector.extract_strided_slice %get3A_122 {offsets = [0], sizes = [1], strides = [1]} : vector<16xi32> to vector<1xi32>
      %squeeze3A = vector.extract %slice3A[0] : i32 from vector<1xi32>
      %shift_right_logical3A = arith.constant 14 : i32
      %shift_right_logical3A_123 = arith.shrui %squeeze3A, %shift_right_logical3A : i32
      %and3A = arith.constant 1 : i32
      %and3A_124 = arith.andi %shift_right_logical3A_123, %and3A : i32
      %mul3A_125 = arith.constant 64 : i32
      %mul3A_126 = arith.muli %and3A_124, %mul3A_125 : i32
      %add3A_127 = arith.constant 0 : i32
      %add3A_128 = arith.addi %mul3A_126, %add3A_127 : i32
      %get3A_129 = arith.constant 0 : i32
      %get3A_130 = arith.index_cast %get3A_129 : i32 to index
      %get3A_131 = arith.index_cast %scan3A_117 : i32 to index
      %get3A_132 = arith.index_cast %add3A_128 : i32 to index
      %get3A_133 = tpu.vector_load %arg6[%get3A_130, %get3A_131, %get3A_132] {strides = array<i32>} : memref<2x128x128xf32, #tpu.memory_space<vmem>>, vector<1x1x16xf32>,
      %get3A_134 = vector.shape_cast %get3A_133 : vector<1x1x16xf32> to vector<16xf32>
      %add3A_135 = arith.constant 256 : i32
      %add3A_136 = arith.addi %add3A_135, %scan3A_117 : i32
      %swap3A = arith.index_cast %add3A_136 : i32 to index
      %swap3A_137 = arith.constant 0 : index
      %swap3A_138 = tpu.vector_load %arg7[%swap3A, %swap3A_137] {strides = array<i32>} : memref<512x64xf32, #tpu.memory_space<vmem>>, vector<1x16xf32>,
      %swap3A_139 = vector.shape_cast %swap3A_138 : vector<1x16xf32> to vector<16xf32>
      %swap3A_140 = vector.shape_cast %get3A_134 : vector<16xf32> to vector<1x16xf32>
      tpu.vector_store %arg7[%swap3A, %swap3A_137], %swap3A_140 {strides = array<i32>} : memref<512x64xf32, #tpu.memory_space<vmem>>, vector<1x16xf32>,
      %add3A_141 = arith.constant 16 : i32
      %add3A_142 = arith.addi %mul3A_126, %add3A_141 : i32
      %get3A_143 = arith.constant 0 : i32
      %get3A_144 = arith.index_cast %get3A_143 : i32 to index
      %get3A_145 = arith.index_cast %scan3A_117 : i32 to index
      %get3A_146 = arith.index_cast %add3A_142 : i32 to index
      %get3A_147 = tpu.vector_load %arg6[%get3A_144, %get3A_145, %get3A_146] {strides = array<i32>} : memref<2x128x128xf32, #tpu.memory_space<vmem>>, vector<1x1x16xf32>,
      %get3A_148 = vector.shape_cast %get3A_147 : vector<1x1x16xf32> to vector<16xf32>
      %add3A_149 = arith.constant 256 : i32
      %add3A_150 = arith.addi %add3A_149, %scan3A_117 : i32
      %swap3A_151 = arith.index_cast %add3A_150 : i32 to index
      %swap3A_152 = arith.constant 16 : index
      %swap3A_153 = tpu.vector_load %arg7[%swap3A_151, %swap3A_152] {strides = array<i32>} : memref<512x64xf32, #tpu.memory_space<vmem>>, vector<1x16xf32>,
      %swap3A_154 = vector.shape_cast %swap3A_153 : vector<1x16xf32> to vector<16xf32>
      %swap3A_155 = vector.shape_cast %get3A_148 : vector<16xf32> to vector<1x16xf32>
      tpu.vector_store %arg7[%swap3A_151, %swap3A_152], %swap3A_155 {strides = array<i32>} : memref<512x64xf32, #tpu.memory_space<vmem>>, vector<1x16xf32>,
      %add3A_156 = arith.constant 32 : i32
      %add3A_157 = arith.addi %mul3A_126, %add3A_156 : i32
      %get3A_158 = arith.constant 0 : i32
      %get3A_159 = arith.index_cast %get3A_158 : i32 to index
      %get3A_160 = arith.index_cast %scan3A_117 : i32 to index
      %get3A_161 = arith.index_cast %add3A_157 : i32 to index
      %get3A_162 = tpu.vector_load %arg6[%get3A_159, %get3A_160, %get3A_161] {strides = array<i32>} : memref<2x128x128xf32, #tpu.memory_space<vmem>>, vector<1x1x16xf32>,
      %get3A_163 = vector.shape_cast %get3A_162 : vector<1x1x16xf32> to vector<16xf32>
      %add3A_164 = arith.constant 256 : i32
      %add3A_165 = arith.addi %add3A_164, %scan3A_117 : i32
      %swap3A_166 = arith.index_cast %add3A_165 : i32 to index
      %swap3A_167 = arith.constant 32 : index
      %swap3A_168 = tpu.vector_load %arg7[%swap3A_166, %swap3A_167] {strides = array<i32>} : memref<512x64xf32, #tpu.memory_space<vmem>>, vector<1x16xf32>,
      %swap3A_169 = vector.shape_cast %swap3A_168 : vector<1x16xf32> to vector<16xf32>
      %swap3A_170 = vector.shape_cast %get3A_163 : vector<16xf32> to vector<1x16xf32>
      tpu.vector_store %arg7[%swap3A_166, %swap3A_167], %swap3A_170 {strides = array<i32>} : memref<512x64xf32, #tpu.memory_space<vmem>>, vector<1x16xf32>,
      %add3A_171 = arith.constant 48 : i32
      %add3A_172 = arith.addi %mul3A_126, %add3A_171 : i32
      %get3A_173 = arith.constant 0 : i32
      %get3A_174 = arith.index_cast %get3A_173 : i32 to index
      %get3A_175 = arith.index_cast %scan3A_117 : i32 to index
      %get3A_176 = arith.index_cast %add3A_172 : i32 to index
      %get3A_177 = tpu.vector_load %arg6[%get3A_174, %get3A_175, %get3A_176] {strides = array<i32>} : memref<2x128x128xf32, #tpu.memory_space<vmem>>, vector<1x1x16xf32>,
      %get3A_178 = vector.shape_cast %get3A_177 : vector<1x1x16xf32> to vector<16xf32>
      %add3A_179 = arith.constant 256 : i32
      %add3A_180 = arith.addi %add3A_179, %scan3A_117 : i32
      %swap3A_181 = arith.index_cast %add3A_180 : i32 to index
      %swap3A_182 = arith.constant 48 : index
      %swap3A_183 = tpu.vector_load %arg7[%swap3A_181, %swap3A_182] {strides = array<i32>} : memref<512x64xf32, #tpu.memory_space<vmem>>, vector<1x16xf32>,
      %swap3A_184 = vector.shape_cast %swap3A_183 : vector<1x16xf32> to vector<16xf32>
      %swap3A_185 = vector.shape_cast %get3A_178 : vector<16xf32> to vector<1x16xf32>
      tpu.vector_store %arg7[%swap3A_181, %swap3A_182], %swap3A_185 {strides = array<i32>} : memref<512x64xf32, #tpu.memory_space<vmem>>, vector<1x16xf32>,
      %scan3A_186 = arith.constant 0 : i32
      scf.yield %scan3A_186 : i32
    }
    %scan3A_94 = arith.constant 128 : i32
    %dma_wait3A_95 = arith.constant 1 : i32
    %dma_wait3A_96 = arith.constant 0 : i32
    %dma_wait3A_97 = arith.constant 0 : i32
    %dma_wait3A_98 = tpu.memref_slice %arg6[%dma_wait3A_95, %dma_wait3A_96, %dma_wait3A_97] : memref<2x128x128xf32, #tpu.memory_space<vmem>> -> memref<1x128x128xf32, #tpu.memory_space<vmem>>
    %dma_wait3A_99 = tpu.memref_squeeze %dma_wait3A_98 : memref<1x128x128xf32, #tpu.memory_space<vmem>> -> memref<128x128xf32, #tpu.memory_space<vmem>>
    %dma_wait3A_100 = arith.constant 0 : i32
    %dma_wait3A_101 = arith.constant 0 : i32
    %dma_wait3A_102 = tpu.memref_slice %arg2[%dma_wait3A_100, %dma_wait3A_101] : memref<507904x128xf32, #tpu.memory_space<hbm>> -> memref<128x128xf32, #tpu.memory_space<hbm>>
    %dma_wait3A_103 = arith.constant 0 : i32
    %dma_wait3A_104 = arith.constant 0 : i32
    %dma_wait3A_105 = tpu.memref_slice %arg6[%dma_wait3A_95, %dma_wait3A_103, %dma_wait3A_104] : memref<2x128x128xf32, #tpu.memory_space<vmem>> -> memref<1x128x128xf32, #tpu.memory_space<vmem>>
    %dma_wait3A_106 = tpu.memref_squeeze %dma_wait3A_105 : memref<1x128x128xf32, #tpu.memory_space<vmem>> -> memref<128x128xf32, #tpu.memory_space<vmem>>
    %dma_wait3A_107 = arith.constant 0 : i32
    %dma_wait3A_108 = arith.constant 0 : i32
    %dma_wait3A_109 = tpu.memref_slice %arg2[%dma_wait3A_107, %dma_wait3A_108] : memref<507904x128xf32, #tpu.memory_space<hbm>> -> memref<128x128xf32, #tpu.memory_space<hbm>>
    tpu.wait_dma2 semaphore(%arg9 : memref<!tpu.dma_semaphore, #tpu.memory_space<semaphore_mem>>) src(%dma_wait3A_109 : memref<128x128xf32, #tpu.memory_space<hbm>>) dst(%dma_wait3A_106 : memref<128x128xf32, #tpu.memory_space<vmem>>)
    %scan3A_110 = arith.constant 0 : i32
    %scan3A_111 = arith.constant 0 : i32
    %scan3A_112 = arith.constant 128 : i32
    %scan3A_113 = arith.addi %scan3A_111, %scan3A_112 : i32
    %scan3A_114 = arith.constant 1 : i32
    %scan3A_115 = scf.for %scan3A_117 = %scan3A_111 to %scan3A_113 step %scan3A_114 iter_args(%scan3A_118 = %scan3A_110) -> (i32)  : i32 {
      %add3A_119 = arith.constant 384 : i32
      %add3A_120 = arith.addi %add3A_119, %scan3A_117 : i32
      %get3A = arith.index_cast %add3A_120 : i32 to index
      %get3A_121 = tpu.vector_load %arg5[%get3A] {strides = array<i32>} : memref<528xi32, #tpu.memory_space<vmem>>, vector<16xi32>,
      %get3A_122 = vector.shape_cast %get3A_121 : vector<16xi32> to vector<16xi32>
      %slice3A = vector.extract_strided_slice %get3A_122 {offsets = [0], sizes = [1], strides = [1]} : vector<16xi32> to vector<1xi32>
      %squeeze3A = vector.extract %slice3A[0] : i32 from vector<1xi32>
      %shift_right_logical3A = arith.constant 14 : i32
      %shift_right_logical3A_123 = arith.shrui %squeeze3A, %shift_right_logical3A : i32
      %and3A = arith.constant 1 : i32
      %and3A_124 = arith.andi %shift_right_logical3A_123, %and3A : i32
      %mul3A_125 = arith.constant 64 : i32
      %mul3A_126 = arith.muli %and3A_124, %mul3A_125 : i32
      %add3A_127 = arith.constant 0 : i32
      %add3A_128 = arith.addi %mul3A_126, %add3A_127 : i32
      %get3A_129 = arith.constant 1 : i32
      %get3A_130 = arith.index_cast %get3A_129 : i32 to index
      %get3A_131 = arith.index_cast %scan3A_117 : i32 to index
      %get3A_132 = arith.index_cast %add3A_128 : i32 to index
      %get3A_133 = tpu.vector_load %arg6[%get3A_130, %get3A_131, %get3A_132] {strides = array<i32>} : memref<2x128x128xf32, #tpu.memory_space<vmem>>, vector<1x1x16xf32>,
      %get3A_134 = vector.shape_cast %get3A_133 : vector<1x1x16xf32> to vector<16xf32>
      %add3A_135 = arith.constant 384 : i32
      %add3A_136 = arith.addi %add3A_135, %scan3A_117 : i32
      %swap3A = arith.index_cast %add3A_136 : i32 to index
      %swap3A_137 = arith.constant 0 : index
      %swap3A_138 = tpu.vector_load %arg7[%swap3A, %swap3A_137] {strides = array<i32>} : memref<512x64xf32, #tpu.memory_space<vmem>>, vector<1x16xf32>,
      %swap3A_139 = vector.shape_cast %swap3A_138 : vector<1x16xf32> to vector<16xf32>
      %swap3A_140 = vector.shape_cast %get3A_134 : vector<16xf32> to vector<1x16xf32>
      tpu.vector_store %arg7[%swap3A, %swap3A_137], %swap3A_140 {strides = array<i32>} : memref<512x64xf32, #tpu.memory_space<vmem>>, vector<1x16xf32>,
      %add3A_141 = arith.constant 16 : i32
      %add3A_142 = arith.addi %mul3A_126, %add3A_141 : i32
      %get3A_143 = arith.constant 1 : i32
      %get3A_144 = arith.index_cast %get3A_143 : i32 to index
      %get3A_145 = arith.index_cast %scan3A_117 : i32 to index
      %get3A_146 = arith.index_cast %add3A_142 : i32 to index
      %get3A_147 = tpu.vector_load %arg6[%get3A_144, %get3A_145, %get3A_146] {strides = array<i32>} : memref<2x128x128xf32, #tpu.memory_space<vmem>>, vector<1x1x16xf32>,
      %get3A_148 = vector.shape_cast %get3A_147 : vector<1x1x16xf32> to vector<16xf32>
      %add3A_149 = arith.constant 384 : i32
      %add3A_150 = arith.addi %add3A_149, %scan3A_117 : i32
      %swap3A_151 = arith.index_cast %add3A_150 : i32 to index
      %swap3A_152 = arith.constant 16 : index
      %swap3A_153 = tpu.vector_load %arg7[%swap3A_151, %swap3A_152] {strides = array<i32>} : memref<512x64xf32, #tpu.memory_space<vmem>>, vector<1x16xf32>,
      %swap3A_154 = vector.shape_cast %swap3A_153 : vector<1x16xf32> to vector<16xf32>
      %swap3A_155 = vector.shape_cast %get3A_148 : vector<16xf32> to vector<1x16xf32>
      tpu.vector_store %arg7[%swap3A_151, %swap3A_152], %swap3A_155 {strides = array<i32>} : memref<512x64xf32, #tpu.memory_space<vmem>>, vector<1x16xf32>,
      %add3A_156 = arith.constant 32 : i32
      %add3A_157 = arith.addi %mul3A_126, %add3A_156 : i32
      %get3A_158 = arith.constant 1 : i32
      %get3A_159 = arith.index_cast %get3A_158 : i32 to index
      %get3A_160 = arith.index_cast %scan3A_117 : i32 to index
      %get3A_161 = arith.index_cast %add3A_157 : i32 to index
      %get3A_162 = tpu.vector_load %arg6[%get3A_159, %get3A_160, %get3A_161] {strides = array<i32>} : memref<2x128x128xf32, #tpu.memory_space<vmem>>, vector<1x1x16xf32>,
      %get3A_163 = vector.shape_cast %get3A_162 : vector<1x1x16xf32> to vector<16xf32>
      %add3A_164 = arith.constant 384 : i32
      %add3A_165 = arith.addi %add3A_164, %scan3A_117 : i32
      %swap3A_166 = arith.index_cast %add3A_165 : i32 to index
      %swap3A_167 = arith.constant 32 : index
      %swap3A_168 = tpu.vector_load %arg7[%swap3A_166, %swap3A_167] {strides = array<i32>} : memref<512x64xf32, #tpu.memory_space<vmem>>, vector<1x16xf32>,
      %swap3A_169 = vector.shape_cast %swap3A_168 : vector<1x16xf32> to vector<16xf32>
      %swap3A_170 = vector.shape_cast %get3A_163 : vector<16xf32> to vector<1x16xf32>
      tpu.vector_store %arg7[%swap3A_166, %swap3A_167], %swap3A_170 {strides = array<i32>} : memref<512x64xf32, #tpu.memory_space<vmem>>, vector<1x16xf32>,
      %add3A_171 = arith.constant 48 : i32
      %add3A_172 = arith.addi %mul3A_126, %add3A_171 : i32
      %get3A_173 = arith.constant 1 : i32
      %get3A_174 = arith.index_cast %get3A_173 : i32 to index
      %get3A_175 = arith.index_cast %scan3A_117 : i32 to index
      %get3A_176 = arith.index_cast %add3A_172 : i32 to index
      %get3A_177 = tpu.vector_load %arg6[%get3A_174, %get3A_175, %get3A_176] {strides = array<i32>} : memref<2x128x128xf32, #tpu.memory_space<vmem>>, vector<1x1x16xf32>,
      %get3A_178 = vector.shape_cast %get3A_177 : vector<1x1x16xf32> to vector<16xf32>
      %add3A_179 = arith.constant 384 : i32
      %add3A_180 = arith.addi %add3A_179, %scan3A_117 : i32
      %swap3A_181 = arith.index_cast %add3A_180 : i32 to index
      %swap3A_182 = arith.constant 48 : index
      %swap3A_183 = tpu.vector_load %arg7[%swap3A_181, %swap3A_182] {strides = array<i32>} : memref<512x64xf32, #tpu.memory_space<vmem>>, vector<1x16xf32>,
      %swap3A_184 = vector.shape_cast %swap3A_183 : vector<1x16xf32> to vector<16xf32>
      %swap3A_185 = vector.shape_cast %get3A_178 : vector<16xf32> to vector<1x16xf32>
      tpu.vector_store %arg7[%swap3A_181, %swap3A_182], %swap3A_185 {strides = array<i32>} : memref<512x64xf32, #tpu.memory_space<vmem>>, vector<1x16xf32>,
      %scan3A_186 = arith.constant 0 : i32
      scf.yield %scan3A_186 : i32
    }
    %scan3A_116 = arith.constant 128 : i32
    "tpu.region"() ({
      %run_scoped3A = tpu.sem_alloc : memref<!tpu.dma_semaphore, #tpu.memory_space<semaphore_mem>>
      %dma_start3A = arith.constant 0 : i32
      %dma_start3A_117 = tpu.memref_slice %arg4[%mul3A_2, %dma_start3A] : memref<16384x64xf32, #tpu.memory_space<hbm>> -> memref<512x64xf32, #tpu.memory_space<hbm>>
      %dma_start3A_118 = arith.constant 0 : i32
      %dma_start3A_119 = tpu.memref_slice %arg4[%mul3A_2, %dma_start3A_118] : memref<16384x64xf32, #tpu.memory_space<hbm>> -> memref<512x64xf32, #tpu.memory_space<hbm>>
      tpu.enqueue_dma source(%arg7 : memref<512x64xf32, #tpu.memory_space<vmem>>) target(%dma_start3A_119 : memref<512x64xf32, #tpu.memory_space<hbm>>) target_semaphore(%run_scoped3A : memref<!tpu.dma_semaphore, #tpu.memory_space<semaphore_mem>>)
      %dma_wait3A_120 = arith.constant 0 : i32
      %dma_wait3A_121 = tpu.memref_slice %arg4[%mul3A_2, %dma_wait3A_120] : memref<16384x64xf32, #tpu.memory_space<hbm>> -> memref<512x64xf32, #tpu.memory_space<hbm>>
      %dma_wait3A_122 = arith.constant 0 : i32
      %dma_wait3A_123 = tpu.memref_slice %arg4[%mul3A_2, %dma_wait3A_122] : memref<16384x64xf32, #tpu.memory_space<hbm>> -> memref<512x64xf32, #tpu.memory_space<hbm>>
      tpu.wait_dma2 semaphore(%run_scoped3A : memref<!tpu.dma_semaphore, #tpu.memory_space<semaphore_mem>>) src(%arg7 : memref<512x64xf32, #tpu.memory_space<vmem>>) dst(%dma_wait3A_123 : memref<512x64xf32, #tpu.memory_space<hbm>>)
      tpu.yield
    }) : () -> ()
    return
  }
}

module attributes {stable_mosaic.version = 14 : i64} {
  func.func @_pt_body(%arg0: i32, %arg1: memref<64x32768xf32, #tpu.memory_space<vmem>>, %arg2: memref<64x64xf32, #tpu.memory_space<vmem>>, %arg3: memref<1x64xf32, #tpu.memory_space<vmem>>, %arg4: memref<16384x128xf32, #tpu.memory_space<vmem>>) attributes {dimension_semantics = [#tpu.dimension_semantics<arbitrary>], iteration_bounds = array<i64: 31>, scalar_prefetch = 0 : i64, scratch_operands = 0 : i64, tpu.core_type = #tpu.core_type<tc>, window_params = [{transform_indices = @transform_0, window_bounds = array<i64: 64, 32768>}, {pipeline_mode = #tpu.pipeline_mode<synchronous>, transform_indices = @transform_1, window_bounds = array<i64: 64, 64>}, {pipeline_mode = #tpu.pipeline_mode<synchronous>, transform_indices = @transform_2, window_bounds = array<i64: 1, 64>}, {transform_indices = @transform_3, window_bounds = array<i64: 16384, 128>}]} {
    %get3A = arith.constant 0 : index
    %get3A_0 = arith.constant 0 : index
    %get3A_1 = vector.load %arg2[%get3A, %get3A_0] : memref<64x64xf32, #tpu.memory_space<vmem>>, vector<64x64xf32>
    %transpose3A = tpu.transpose %get3A_1, [1, 0] : vector<64x64xf32> -> vector<64x64xf32>
    %convert_element_type3A = arith.truncf %transpose3A : vector<64x64xf32> to vector<64x64xbf16>
    %get3A_2 = arith.constant 0 : index
    %get3A_3 = arith.constant 0 : index
    %get3A_4 = vector.load %arg1[%get3A_2, %get3A_3] : memref<64x32768xf32, #tpu.memory_space<vmem>>, vector<64x16384xf32>
    %convert_element_type3A_5 = arith.truncf %get3A_4 : vector<64x16384xf32> to vector<64x16384xbf16>
    %dot_general3A = arith.constant dense<0.000000e+00> : vector<16384x64xf32>
    %dot_general3A_6 = tpu.matmul %convert_element_type3A_5, %convert_element_type3A, %dot_general3A {dimension_numbers = #tpu.dot_dimension_numbers<[0], [0], [1], [1], [0, 1, 1, 1], [], []>, transpose_lhs_hint = true} : vector<64x16384xbf16>, vector<64x64xbf16>, vector<16384x64xf32> -> vector<16384x64xf32>
    %get3A_7 = arith.constant 0 : index
    %get3A_8 = arith.constant 0 : index
    %get3A_9 = vector.load %arg3[%get3A_7, %get3A_8] : memref<1x64xf32, #tpu.memory_space<vmem>>, vector<1x64xf32>
    %add3A = vector.broadcast %get3A_9 : vector<1x64xf32> to vector<16384x64xf32>
    %add3A_10 = arith.addf %dot_general3A_6, %add3A : vector<16384x64xf32>
    %swap3A = arith.constant 0 : index
    %swap3A_11 = arith.constant 0 : index
    %swap3A_12 = vector.load %arg4[%swap3A, %swap3A_11] : memref<16384x128xf32, #tpu.memory_space<vmem>>, vector<16384x64xf32>
    tpu.vector_store %arg4[%swap3A, %swap3A_11], %add3A_10 {strides = array<i32>} : memref<16384x128xf32, #tpu.memory_space<vmem>>, vector<16384x64xf32>,
    %get3A_13 = arith.constant 0 : index
    %get3A_14 = arith.constant 16384 : index
    %get3A_15 = vector.load %arg1[%get3A_13, %get3A_14] : memref<64x32768xf32, #tpu.memory_space<vmem>>, vector<64x16384xf32>
    %convert_element_type3A_16 = arith.truncf %get3A_15 : vector<64x16384xf32> to vector<64x16384xbf16>
    %dot_general3A_17 = arith.constant dense<0.000000e+00> : vector<16384x64xf32>
    %dot_general3A_18 = tpu.matmul %convert_element_type3A_16, %convert_element_type3A, %dot_general3A_17 {dimension_numbers = #tpu.dot_dimension_numbers<[0], [0], [1], [1], [0, 1, 1, 1], [], []>, transpose_lhs_hint = true} : vector<64x16384xbf16>, vector<64x64xbf16>, vector<16384x64xf32> -> vector<16384x64xf32>
    %get3A_19 = arith.constant 0 : index
    %get3A_20 = arith.constant 0 : index
    %get3A_21 = vector.load %arg3[%get3A_19, %get3A_20] : memref<1x64xf32, #tpu.memory_space<vmem>>, vector<1x64xf32>
    %add3A_22 = vector.broadcast %get3A_21 : vector<1x64xf32> to vector<16384x64xf32>
    %add3A_23 = arith.addf %dot_general3A_18, %add3A_22 : vector<16384x64xf32>
    %swap3A_24 = arith.constant 0 : index
    %swap3A_25 = arith.constant 64 : index
    %swap3A_26 = vector.load %arg4[%swap3A_24, %swap3A_25] : memref<16384x128xf32, #tpu.memory_space<vmem>>, vector<16384x64xf32>
    tpu.vector_store %arg4[%swap3A_24, %swap3A_25], %add3A_23 {strides = array<i32>} : memref<16384x128xf32, #tpu.memory_space<vmem>>, vector<16384x64xf32>,
    return
  }
  func.func @transform_0(%arg0: i32) -> (i32, i32) {
    %c0_i32 = arith.constant 0 : i32
    %c0_i32_0 = arith.constant 0 : i32
    return %c0_i32, %arg0 : i32, i32
  }
  func.func @transform_1(%arg0: i32) -> (i32, i32) {
    %c0_i32 = arith.constant 0 : i32
    %c0_i32_0 = arith.constant 0 : i32
    %c0_i32_1 = arith.constant 0 : i32
    return %c0_i32, %c0_i32_0 : i32, i32
  }
  func.func @transform_2(%arg0: i32) -> (i32, i32) {
    %c0_i32 = arith.constant 0 : i32
    %c0_i32_0 = arith.constant 0 : i32
    %c0_i32_1 = arith.constant 0 : i32
    return %c0_i32, %c0_i32_0 : i32, i32
  }
  func.func @transform_3(%arg0: i32) -> (i32, i32) {
    %c0_i32 = arith.constant 0 : i32
    %c0_i32_0 = arith.constant 0 : i32
    return %arg0, %c0_i32 : i32, i32
  }
}

</mosaic_0001>

<sc_bundles>
// kernel: kernel.4.cloned.1.call-start
scs
__scs_entry_jumppad:
0x0: {  	(pc) =	sbr.rel $0x88, $3  }
0x1: {  	(tag) =	ssettag $0x0;
	lr =	simm.s32 $0x1  }
0x2: {  	[smem:$0x3F9D] =	sst lr;
	_ =	strace $0xD0000000  }
0x3: {  	_ = 	snop  }
0x4: {  	_ = 	snop  }
0x5: {  	_ = 	snop  }
0x6: {  	_ = 	snop  }
0x7: {  	_ = 	snop  }
__scs_overlays_trampoline_lowered:
0x8: {  	[smem:$0x3FAC] =	sst s0  }
0x9: {  	[smem:$0x3FAD] =	sst s1  }
0xa: {  	[smem:$0x3FAE] =	sst s2  }
0xb: {  	[smem:$0x3FAF] =	sst s3  }
0xc: {  	[smem:$0x3FB0] =	sst s4  }
0xd: {  	[smem:$0x3FB1] =	sst s5  }
0xe: {  	[smem:$0x3FB2] =	sst s6  }
0xf: {  	[smem:$0x3FB3] =	sst s7  }
0x10: {  	[smem:$0x3FB4] =	sst s8  }
0x11: {  	[smem:$0x3FB5] =	sst s9;
	s0 =	simm.s32 @!p0 $0x0  }
0x12: {  	s1 =	sld [smem:$0x3F9B];
	s0 =	simm.s32 @p0 $0x1  }
0x13: {  	[smem:$0x3FB6] =	sst s0;
	s0 =	simm.s32 @!p1 $0x0  }
0x14: {  	s2 =	sld [smem:$0x3F9A];
	s0 =	simm.s32 @p1 $0x1  }
0x15: {  	[smem:$0x3FB7] =	sst s0;
	s0 =	simm.s32 @!p2 $0x0  }
0x16: {  	s3 =	sld [smem:$0x3FDB];
	s0 =	simm.s32 @p2 $0x1  }
0x17: {  	s4 =	simm.s32 $0x1BF5;
	[smem:$0x3FB9] =	sst s0  }
0x18: {  	s0 =	sld [smem:$0x3F9C];
	_ =	swait.ge [sflag:s4], $0x0  }
0x19: {  	s7 =	sld [smem:$0x3F9D]  }
0x1a: {  	s8 =	sadd.s32 $0xFFFFE003, lr  }
0x1b: {  	s9 =	sadd.s32 $0xFFFFFEF7, lr;
	s5 =	simm.s32 $0xFFFFFFFF;
	p2 =	slt.u32 s8, $0xFFFFF086  }
0x1c: {  	p1 =	slt.u32 s9, $0xF7A;
	s5 =	simm.s32 @!p2 $0x0  }
0x1d: {  	s5 =	simm.s32 @p1 $0x1;
	p0 =	seq.s32 s7, s2  }
0x1e: {  	s7 =	smul.u32 @!p0 $0xF7A, s2;
	p2 =	seq.s32 @!p0 s5, $0x0  }
0x1f: {  	s9 =	smul.u32 $0xF7A, s1;
	s8 =	simm.s32 @!p0 $0x1BF5;
	p2 =	por !p2, p0  }
0x20: {  	[sflag:s8] =	ssyncset.s32 @!p0 $0xFFFFF086;
	s6 =	sadd.s32 @!p0 s3, s7;
	s7 =	simm.s32 @!p0 $0x108  }
0x21: {  	s3 =	sadd.s32 s3, s9;
	s6 =	sadd.s32 @!p0 $0x88, s6;
	s7 =	simm.s32 @p2 $0x1082  }
0x22: {  	[simem:s7], [sflag:s8] =	dma.local @!p0 [hbm:s6], $0xF7A  }
0x23: {  	s9 =	sor.u32 $0xD0000000, s2;
	s6 =	simm.s32 $0x108;
	_ =	swait.ge @!p0 [sflag:s8], $0x0  }
0x24: {  	s3 =	sadd.s32 $0x88, s3;
	s6 =	simm.s32 @!p1 $0x1082;
	[sflag:s4] =	ssyncset.s32 $0xFFFFF086  }
0x25: {  	[simem:s6], [sflag:s4] =	dma.local [hbm:s3], $0xF7A  }
0x26: {  	[smem:$0x3F9D] =	sst s1;
	(tag) =	ssettag s2;
	_ =	strace s9  }
0x27: {  	s1 =	sld [smem:$0x3FAD]  }
0x28: {  	s2 =	sld [smem:$0x3FAE]  }
0x29: {  	s4 =	sld [smem:$0x3FB0]  }
0x2a: {  	p0 =	seq.s32 s5, $0x0;
	s5 =	sld [smem:$0x3FB1]  }
0x2b: {  	s6 =	sld [smem:$0x3FB2]  }
0x2c: {  	s7 =	sld [smem:$0x3FB3]  }
0x2d: {  	s3 =	simm.s32 $0x108;
	s8 =	sld [smem:$0x3FB4]  }
0x2e: {  	s3 =	simm.s32 @!p0 $0x1082;
	s9 =	sld [smem:$0x3FB5]  }
0x2f: {  	lr =	sadd.s32 s0, s3;
	s0 =	sld [smem:$0x3FAC]  }
0x30: {  	s3 =	sld [smem:$0x3FAF]  }
0x31: {  	[smem:$0x3FB8] =	sst s10  }
0x32: {  	s10 =	sld [smem:$0x3FB6];
	_ =	sdelay $0x3  }
0x33: {  	p0 =	seq.s32 s10, $0x1;
	s10 =	sld [smem:$0x3FB8];
	_ =	sdelay $0x3  }
0x34: {  	[smem:$0x3FB8] =	sst s10  }
0x35: {  	s10 =	sld [smem:$0x3FB7];
	_ =	sdelay $0x3  }
0x36: {  	p1 =	seq.s32 s10, $0x1;
	s10 =	sld [smem:$0x3FB8];
	_ =	sdelay $0x3  }
0x37: {  	[smem:$0x3FB8] =	sst s10  }
0x38: {  	s10 =	sld [smem:$0x3FB9]  }
0x39: {  	_ = 	snop;
	(pc) =	sbr.ind lr, $3  }
0x3a: {  	_ = 	snop  }
0x3b: {  	_ = 	snop  }
0x3c: {  	p2 =	seq.s32 s10, $0x1;
	s10 =	sld [smem:$0x3FB8]  }
0x3d: {  	_ =	shalt  }
0x3e: {  	_ =	shalt  }
0x3f: {  	_ =	shalt  }
0x40: {  	_ =	shalt  }
0x41: {  	_ =	shalt  }
0x42: {  	_ =	shalt  }
0x43: {  	_ =	shalt  }
0x44: {  	_ =	shalt  }
0x45: {  	_ =	shalt  }
0x46: {  	_ =	shalt  }
0x47: {  	_ =	shalt  }
0x48: {  	_ =	shalt  }
0x49: {  	_ =	shalt  }
0x4a: {  	_ =	shalt  }
0x4b: {  	_ =	shalt  }
0x4c: {  	_ =	shalt  }
0x4d: {  	_ =	shalt  }
0x4e: {  	_ =	shalt  }
0x4f: {  	_ =	shalt  }
0x50: {  	_ =	shalt  }
0x51: {  	_ =	shalt  }
0x52: {  	_ =	shalt  }
0x53: {  	_ =	shalt  }
0x54: {  	_ =	shalt  }
0x55: {  	_ =	shalt  }
0x56: {  	_ =	shalt  }
0x57: {  	_ =	shalt  }
0x58: {  	_ =	shalt  }
0x59: {  	_ =	shalt  }
0x5a: {  	_ =	shalt  }
0x5b: {  	_ =	shalt  }
0x5c: {  	_ =	shalt  }
0x5d: {  	_ =	shalt  }
0x5e: {  	_ =	shalt  }
0x5f: {  	_ =	shalt  }
0x60: {  	_ =	shalt  }
0x61: {  	_ =	shalt  }
0x62: {  	_ =	shalt  }
0x63: {  	_ =	shalt  }
0x64: {  	_ =	shalt  }
0x65: {  	_ =	shalt  }
0x66: {  	_ =	shalt  }
0x67: {  	_ =	shalt  }
0x68: {  	_ =	shalt  }
0x69: {  	_ =	shalt  }
0x6a: {  	_ =	shalt  }
0x6b: {  	_ =	shalt  }
0x6c: {  	_ =	shalt  }
0x6d: {  	_ =	shalt  }
0x6e: {  	_ =	shalt  }
0x6f: {  	_ =	shalt  }
0x70: {  	_ =	shalt  }
0x71: {  	_ =	shalt  }
0x72: {  	_ =	shalt  }
0x73: {  	_ =	shalt  }
0x74: {  	_ =	shalt  }
0x75: {  	_ =	shalt  }
0x76: {  	_ =	shalt  }
0x77: {  	_ =	shalt  }
0x78: {  	_ =	shalt  }
0x79: {  	_ =	shalt  }
0x7a: {  	_ =	shalt  }
0x7b: {  	_ =	shalt  }
0x7c: {  	_ =	shalt  }
0x7d: {  	_ =	shalt  }
0x7e: {  	_ =	shalt  }
0x7f: {  	_ =	shalt  }
0x80: {  	_ =	shalt  }
0x81: {  	_ =	shalt  }
0x82: {  	_ =	shalt  }
0x83: {  	_ =	shalt  }
0x84: {  	_ =	shalt  }
0x85: {  	_ =	shalt  }
0x86: {  	_ =	shalt  }
0x87: {  	_ =	shalt  }
.Lfunc_end0:
.L_simem_size_0:
called_computation_lowered:
.L_overlay_start_0:
0x88: {  	s2 =	sld [smem:$0x3FD9]  }
0x89: {  	s3 =	sld [smem:$0x3FFE];
	_ =	sdelay $0x1  }
0x8a: {  	s1 =	srdreg.scid  }
0x8b: {  	s0 =	sand.u32 $0x1, s1  }
0x8c: {  	s17 =	sshll.u32 s0, $0xA;
	s2 =	sadd.s32 s3, s2  }
0x8d: {  	s2 =	sadd.s32 s2, s17  }
0x8e: {  	[smem:$0x3FC4] =	sst s2  }
0x8f: {  	_ = 	snop  }
0x90: {  	s2 =	sld [smem:$0x3FC9];
	(tm) =	ssettm $0x1  }
0x91: {  	s18 =	sld [smem:$0x3FFB];
	_ =	sdelay $0x3  }
0x92: {  	_ =	strace s18  }
0x93: {  	s3 =	sld [smem:$0x3FFC];
	_ =	sdelay $0x3  }
0x94: {  	_ =	strace s3  }
0x95: {  	s3 =	sld [smem:$0x3FFD];
	_ =	sdelay $0x3  }
0x96: {  	_ =	strace s3  }
0x97: {  	_ =	strace $0x8FFFFFFF  }
0x98: {  	s19 =	sld [smem:$0x3FDB];
	_ =	sdelay $0x1  }
0x99: {  	s4 =	simm.s32 $_scs_section_size  }
0x9a: {  	s5 =	simm.s32 $_size__tile_overlayer_lowered;
	s6 =	simm.s32 $_tile_overlayer_lowered  }
0x9b: {  	s22 =	simm.s32 $0x1BFF;
	s21 =	sshll.u32 s6, $0x1;
	s3 =	sadd.s32 s4, s19  }
0x9c: {  	s7 =	simm.s32 $0x0;
	s20 =	sshll.u32 s5, $0x1;
	s5 =	sadd.s32 s21, s3  }
0x9d: {  	[timem:s7], [sflag:s22] =	dma.local [hbm:s5], s20  }
0x9e: {  	_ =	swait.ge [sflag:s22], s20  }
0x9f: {  	s4 =	ssub.s32 $0x0, s20;
	[sflag:s22] =	ssyncset.done $0x0  }
0xa0: {  	[sflag:s22] =	ssyncadd.s32 s4;
	_ =	sdelay $0x1  }
0xa1: {  	s23 =	simm.s32 $0x1B8B  }
0xa2: {  	_ =	swait.ge [sflag:s23], $0x1  }
0xa3: {  	[sflag:s23] =	ssyncset.done $0x0  }
0xa4: {  	s25 =	simm.s32 $0x1B8E;
	s24 =	sld [smem:$0x3FFE];
	[sflag:s23] =	ssyncadd.s32 $0xFFFFFFFF  }
0xa5: {  	s26 =	simm.s32 $execute0_lowered;
	[smem:$0x3FD2] =	sst s25  }
0xa6: {  	s5 =	sshll.u32 s26, $0x1;
	_ =	strace $0x80000046;
	[dreg:$0x1] =	wrdreg $0xFFFFFFFF  }
0xa7: {  	s28 =	simm.s32 $_size_execute0_lowered;
	s3 =	sadd.s32 s3, s5;
	[dreg:$0x0] =	wrdreg $0x0  }
0xa8: {  	s5 =	sshll.u32 s28, $0x1;
	[dreg:$0x2] =	wrdreg s3  }
0xa9: {  	[dreg:$0x3] =	wrdreg s5  }
0xaa: {  	[dreg:$0x4] =	wrdreg $0xC0  }
0xab: {  	_ =	task [dreg:s7], $0x5FFFF  }
0xac: {  	[dreg:$0x1] =	wrdreg $0xFFFFFFFF  }
0xad: {  	[dreg:$0x0] =	wrdreg $0x60  }
0xae: {  	[dreg:$0x2] =	wrdreg s24  }
0xaf: {  	[dreg:$0x3] =	wrdreg s2  }
0xb0: {  	[dreg:$0x4] =	wrdreg $0x9  }
0xb1: {  	_ =	task.clear_ibuf [dreg:s7], $0x5FFFF;
	_ =	strace $0x90000046  }
0xb2: {  	s29 =	simm.s32 $0x9;
	_ =	strace $0x80000048  }
0xb3: {  	_ =	swait.ge [sflag:s29], $0x1  }
0xb4: {  	[sflag:s29] =	ssyncadd.s32 $0xFFFFFFFF  }
0xb5: {  	_ =	strace $0x90000048  }
0xb6: {  	_ =	sfence  }
0xb7: {  	s30 =	sld [smem:$0x0];
	_ =	sdelay $0x2  }
0xb8: {  	s31 =	sshll.u32 s1, $0xD;
	s1 =	sshrl.u32 s1, $0x2  }
0xb9: {  	s3 =	sand.u32 $0x4000, s31;
	s1 =	sadd.s32 s1, s30  }
0xba: {  	s0 =	sor.u32 s3, s0;
	s1 =	sshll.u32 s1, $0x11  }
0xbb: {  	s0 =	sor.u32 s1, s0  }
0xbc: {  	s0 =	sadd.s32 $0x8F2B, s0  }
0xbd: {  	[sflag:s0] =	ssyncadd.remote.s32 $0x1  }
0xbe: {  	_ =	sfence.sel $0xFFFF  }
0xbf: {  	[dreg:$0x0] =	wrdreg $0xFFFFFFFF;
	(pc) =	sbr.abs _section_cstart, $3  }
0xc0: {  	[dreg:$0x1] =	wrdreg $0xFFFFFFFF  }
0xc1: {  	_ =	task.clear_ibuf [dreg:s7], $0x2FFFF;
	_ =	strace $0x9FFFFFFF  }
0xc2: {  	(tm) =	ssettm $0x7FFFFFFF  }
0xc3: {  	_ =	shalt  }
tec
execute0_lowered:
.L_overlay_start_1:
0x0: {  	(tag) =	ssettag $0x1  }
0x1: {  	s4 =	rddreg [dreg:$0x0]  }
0x2: {  	s5 =	rddreg [dreg:$0x1]  }
0x3: {  	s0 =	rddreg [dreg:$0x2]  }
0x4: {  	s3 =	srdreg.scid;
	s2 =	simm.s32 $0x0;
	s1 =	stileid.u32  }
0x5: {  	s9 =	simm.s32 $0x2;
	s10 =	simm.s32 $0x8280;
	s11 =	simm.s32 $0x0  }
0x6: {  	s6 =	sand.u32 $0x1, s3;
	[smem:$0x7FF] =	sst s2;
	s30 =	sshll.u32 s1, $0xA  }
0x7: {  	s3 =	sadd.s32 $0x400, s4;
	s7 =	sshll.u32 s6, $0x9;
	s6 =	ssub.s32 $0x2, s6  }
0x8: {  	_ =	strace $0x80000047;
	s7 =	sor.u32 s7, s30;
	s31 =	sshrl.u32 s6, $0x1  }
0x9: {  	s8 =	sshll.u32 s7, $0x4;
	s7 =	sshrl.u32 s7, $0x3;
	s6 =	ssub.s32 s6, s31  }
0xa: {  	s8 =	sadd.s32 s8, s4;
	s4 =	sadd.s32 s5, s7;
	s6 =	smax.u32 s6, $0x1  }
0xb: {  	s7 =	simm.s32 $0x3;
	s5 =	sadd.s32 $0x7C0400, s8;
	s8 =	simm.s32 $0x1  }
.LBB2_1:
0xc: {  	[tilespmem:s2], [sflag:$0x3] =	stream.linear.gather [hbm4b:s4+s2], $0x200, $0x38;
	[tilespmem:$0x18280] =	vst v63  }
0xd: {  	_ =	swait.ge [sflag:s7], $0x200  }
0xe: {  	[sflag:s7] =	ssyncset.done $0x0  }
0xf: {  	s12 =	simm.s32 $0x0;
	[sflag:s7] =	ssyncadd.s32 $0xFFFFFE00  }
0x10: {  	v0 =	vld [tilespmem:s12+$0x0];
	_ =	sdelay $0x4  }
0x11: {  	(v2sf) =	vpush v0, $0x0;
	_ =	sdelay $0xe  }
0x12: {  	s30 =	spop (v2sf)  }
0x13: {  	s13 =	sshrl.u32 s30, $0x1  }
0x14: {  	s12 =	sand.u32 $0x3FFF, s30;
	s13 =	sand.u32 $0x1FFC000, s13  }
0x15: {  	s12 =	sor.u32 s12, s13  }
0x16: {  	s13 =	sshll.u32 s12, $0x4  }
0x17: {  	s31 =	simm.s32 $0x1;
	s12 =	simm.s32 $0x280;
	s13 =	sadd.s32 s3, s13  }
0x18: {  	[tilespmem:s12], [sflag:$0x1] =	stream.linear.gather [hbm4b:s13+s2], $0x80, $0x38;
	[tilespmem:$0x18280] =	vst v63  }
0x19: {  	s13 =	simm.s32 $0x8;
	v0 =	vld [tilespmem:s31+$0x0]  }
.LBB2_2:
0x1a: {  	p0 =	sne.s32 s13, $0x1FC;
	_ =	sdelay $0x3  }
0x1b: {  	(v2sf) =	vpush v0, $0x0;
	_ =	sdelay $0xe  }
0x1c: {  	s14 =	spop (v2sf)  }
0x1d: {  	s15 =	sshrl.u32 s14, $0x1  }
0x1e: {  	s14 =	sand.u32 $0x3FFF, s14;
	s15 =	sand.u32 $0x1FFC000, s15  }
.Ltmp0:
0x1f: {  	s14 =	sor.u32 s14, s15;
	(pc) =	sbr.rel @p0 .LBB2_2-.Ltmp0, $4  }
0x20: {  	s12 =	sadd.s32 $0x80, s12;
	s14 =	sshll.u32 s14, $0x4  }
0x21: {  	s15 =	sshra.s32 s13, $0x2;
	s16 =	sadd.s32 s3, s14;
	s14 =	simm.s32 $0x0  }
0x22: {  	[tilespmem:s12], [sflag:$0x1] =	stream.linear.gather [hbm4b:s16+s14], $0x80, $0x38;
	[tilespmem:$0x18280] =	vst v63  }
0x23: {  	s13 =	sadd.s32 $0x4, s13;
	v0 =	vld [tilespmem:s15+$0x0]  }
0x24: {  	_ =	sdelay $0x3  }
0x25: {  	(v2sf) =	vpush v0, $0x0;
	_ =	sdelay $0xe  }
0x26: {  	s13 =	spop (v2sf)  }
0x27: {  	s15 =	sshrl.u32 s13, $0x1  }
0x28: {  	p1 =	por $0x1, $0x1;
	s13 =	sand.u32 $0x3FFF, s13;
	s15 =	sand.u32 $0x1FFC000, s15  }
.Ltmp1:
0x29: {  	s13 =	sor.u32 s13, s15;
	(pc) =	sbr.rel @!p1 .LBB2_4-.Ltmp1, $4  }
0x2a: {  	s13 =	sshll.u32 s13, $0x4  }
0x2b: {  	s12 =	sadd.s32 $0x80, s12;
	s31 =	simm.s32 $0x0;
	s13 =	sadd.s32 s3, s13  }
0x2c: {  	[tilespmem:s12], [sflag:$0x1] =	stream.linear.gather [hbm4b:s13+s14], $0x80, $0x38;
	[tilespmem:$0x18280] =	vst v63  }
0x2d: {  	p0 =	por $0x0, $0x0;
	s12 =	simm.s32 $0x4280;
	v0 =	vld [tilespmem:s31+$0x80]  }
0x2e: {  	_ =	sdelay $0x3  }
0x2f: {  	(v2sf) =	vpush v0, $0x0;
	_ =	sdelay $0xe  }
0x30: {  	s13 =	spop (v2sf)  }
0x31: {  	s14 =	sshrl.u32 s13, $0x1  }
0x32: {  	p1 =	por $0x1, $0x1;
	s13 =	sand.u32 $0x3FFF, s13;
	s14 =	sand.u32 $0x1FFC000, s14  }
.Ltmp2:
0x33: {  	s13 =	sor.u32 s13, s14;
	(pc) =	sbr.rel @!p1 .LBB2_6-.Ltmp2, $4  }
0x34: {  	s13 =	sshll.u32 s13, $0x4  }
0x35: {  	s31 =	simm.s32 $0x1;
	s13 =	sadd.s32 s3, s13  }
0x36: {  	[tilespmem:s12], [sflag:$0x2] =	stream.linear.gather [hbm4b:s13+s2], $0x80, $0x38;
	[tilespmem:$0x18280] =	vst v63  }
0x37: {  	p0 =	por $0x1, $0x1;
	s14 =	simm.s32 $0x8;
	s13 =	simm.s32 $0x4280;
	v0 =	vld [tilespmem:s31+$0x80]  }
.LBB2_7:
0x38: {  	p1 =	sne.s32 s14, $0x1FC;
	_ =	sdelay $0x3  }
0x39: {  	(v2sf) =	vpush v0, $0x0;
	_ =	sdelay $0xe  }
0x3a: {  	s15 =	spop (v2sf)  }
0x3b: {  	s16 =	sshrl.u32 s15, $0x1  }
0x3c: {  	s15 =	sand.u32 $0x3FFF, s15;
	s16 =	sand.u32 $0x1FFC000, s16  }
.Ltmp3:
0x3d: {  	s15 =	sor.u32 s15, s16;
	(pc) =	sbr.rel @p1 .LBB2_7-.Ltmp3, $4  }
0x3e: {  	s15 =	sshll.u32 s15, $0x4  }
0x3f: {  	s13 =	sadd.s32 $0x80, s13;
	s16 =	sshra.s32 s14, $0x2;
	s15 =	sadd.s32 s3, s15  }
0x40: {  	[tilespmem:s13], [sflag:$0x2] =	stream.linear.gather [hbm4b:s15+s2], $0x80, $0x38;
	[tilespmem:$0x18280] =	vst v63  }
0x41: {  	s14 =	sadd.s32 $0x4, s14;
	v0 =	vld [tilespmem:s16+$0x80]  }
.LBB2_8:
0x42: {  	_ =	sdelay $0x3  }
0x43: {  	(v2sf) =	vpush v0, $0x0;
	_ =	sdelay $0xe  }
0x44: {  	s14 =	spop (v2sf)  }
0x45: {  	s15 =	sshrl.u32 s14, $0x1  }
0x46: {  	s14 =	sand.u32 $0x3FFF, s14;
	s15 =	sand.u32 $0x1FFC000, s15  }
0x47: {  	s14 =	sor.u32 s14, s15  }
0x48: {  	s13 =	sadd.s32 @p0 $0x80, s13;
	s14 =	sshll.u32 s14, $0x4  }
0x49: {  	s12 =	smov.u32 @p0 s13;
	s14 =	sadd.s32 s3, s14  }
0x4a: {  	[tilespmem:s12], [sflag:$0x2] =	stream.linear.gather [hbm4b:s14+s2], $0x80, $0x38;
	[tilespmem:$0x18280] =	vst v63  }
0x4b: {  	_ =	swait.ge [sflag:s8], $0x4000  }
0x4c: {  	[sflag:s8] =	ssyncset.done $0x0  }
0x4d: {  	s12 =	simm.s32 $0x0;
	[sflag:s8] =	ssyncadd.s32 $0xFFFFC000  }
0x4e: {  	s13 =	simm.s32 $0x200;
	s14 =	simm.s32 $0x0;
	v0 =	vld [tilespmem:s12+$0x0]  }
.LBB2_9:
0x4f: {  	p0 =	sne.s32 s13, $0xFE00;
	_ =	sdelay $0x3  }
0x50: {  	(v2sf) =	vpush v0, $0x0;
	_ =	sdelay $0xe  }
0x51: {  	s15 =	spop (v2sf)  }
0x52: {  	s15 =	sshrl.u32 s15, $0x6  }
0x53: {  	s15 =	sand.u32 $0x100, s15  }
0x54: {  	s16 =	sadd.s32 s15, s12;
	s15 =	sshrl.u32 s15, $0x2  }
0x55: {  	s16 =	sshra.s32 s16, $0x2  }
0x56: {  	v0 =	vld [tilespmem:s16+$0x280];
	_ =	sdelay $0x3  }
0x57: {  	s17 =	sshra.s32 s12, $0x2;
	s12 =	smov.u32 s13  }
0x58: {  	s15 =	sadd.s32 s17, s15;
	[tilespmem:s17+$0x8280] =	vst v0  }
0x59: {  	v0 =	vld [tilespmem:s15+$0x290];
	_ =	sdelay $0x4  }
0x5a: {  	[tilespmem:s17+$0x8290] =	vst v0  }
0x5b: {  	v0 =	vld [tilespmem:s15+$0x2A0];
	_ =	sdelay $0x4  }
0x5c: {  	[tilespmem:s17+$0x82A0] =	vst v0  }
0x5d: {  	v0 =	vld [tilespmem:s16+$0x2B0];
	_ =	sdelay $0x1  }
.Ltmp4:
0x5e: {  	(pc) =	sbr.rel @p0 .LBB2_9-.Ltmp4, $3  }
0x5f: {  	_ =	sdelay $0x1  }
0x60: {  	s14 =	sadd.s32 $0x1, s14;
	[tilespmem:s17+$0x82B0] =	vst v0  }
0x61: {  	s13 =	sadd.s32 $0x200, s13;
	v0 =	vld [tilespmem:s14+$0x0]  }
0x62: {  	_ =	sdelay $0x3  }
0x63: {  	(v2sf) =	vpush v0, $0x0;
	_ =	sdelay $0xe  }
0x64: {  	s13 =	spop (v2sf)  }
0x65: {  	s13 =	sshrl.u32 s13, $0x6  }
0x66: {  	s13 =	sand.u32 $0x100, s13  }
0x67: {  	s14 =	sadd.s32 s13, s12  }
0x68: {  	s14 =	sshra.s32 s14, $0x2  }
0x69: {  	v0 =	vld [tilespmem:s14+$0x280];
	_ =	sdelay $0x3  }
0x6a: {  	s26 =	sshra.s32 s12, $0x2;
	s13 =	sshrl.u32 s13, $0x2  }
0x6b: {  	s13 =	sadd.s32 s26, s13;
	[tilespmem:s26+$0x8280] =	vst v0  }
0x6c: {  	v0 =	vld [tilespmem:s13+$0x290];
	_ =	sdelay $0x4  }
0x6d: {  	[tilespmem:s26+$0x8290] =	vst v0  }
0x6e: {  	v0 =	vld [tilespmem:s13+$0x2A0];
	_ =	sdelay $0x4  }
0x6f: {  	[tilespmem:s26+$0x82A0] =	vst v0  }
0x70: {  	v0 =	vld [tilespmem:s14+$0x2B0];
	_ =	sdelay $0x4  }
0x71: {  	s28 =	simm.s32 $0x0;
	[tilespmem:s26+$0x82B0] =	vst v0  }
0x72: {  	v0 =	vld [tilespmem:s28+$0x100];
	_ =	sdelay $0x4  }
0x73: {  	(v2sf) =	vpush v0, $0x0;
	_ =	sdelay $0xe  }
0x74: {  	s29 =	spop (v2sf)  }
0x75: {  	s30 =	sshrl.u32 s29, $0x1  }
0x76: {  	s12 =	sand.u32 $0x3FFF, s29;
	s13 =	sand.u32 $0x1FFC000, s30  }
0x77: {  	s12 =	sor.u32 s12, s13  }
0x78: {  	s13 =	sshll.u32 s12, $0x4  }
0x79: {  	s31 =	simm.s32 $0x1;
	s12 =	simm.s32 $0x280;
	s13 =	sadd.s32 s3, s13  }
0x7a: {  	[tilespmem:s12], [sflag:$0x1] =	stream.linear.gather [hbm4b:s13+s2], $0x80, $0x38;
	[tilespmem:$0x18280] =	vst v63  }
0x7b: {  	s13 =	simm.s32 $0x8;
	v0 =	vld [tilespmem:s31+$0x100]  }
.LBB2_11:
0x7c: {  	p0 =	sne.s32 s13, $0x1FC;
	_ =	sdelay $0x3  }
0x7d: {  	(v2sf) =	vpush v0, $0x0;
	_ =	sdelay $0xe  }
0x7e: {  	s14 =	spop (v2sf)  }
0x7f: {  	s15 =	sshrl.u32 s14, $0x1  }
0x80: {  	s14 =	sand.u32 $0x3FFF, s14;
	s15 =	sand.u32 $0x1FFC000, s15  }
.Ltmp5:
0x81: {  	s14 =	sor.u32 s14, s15;
	(pc) =	sbr.rel @p0 .LBB2_11-.Ltmp5, $4  }
0x82: {  	s14 =	sshll.u32 s14, $0x4  }
0x83: {  	s12 =	sadd.s32 $0x80, s12;
	s15 =	sshra.s32 s13, $0x2;
	s14 =	sadd.s32 s3, s14  }
0x84: {  	[tilespmem:s12], [sflag:$0x1] =	stream.linear.gather [hbm4b:s14+s2], $0x80, $0x38;
	[tilespmem:$0x18280] =	vst v63  }
0x85: {  	s13 =	sadd.s32 $0x4, s13;
	v0 =	vld [tilespmem:s15+$0x100]  }
0x86: {  	_ =	sdelay $0x3  }
0x87: {  	(v2sf) =	vpush v0, $0x0;
	_ =	sdelay $0xe  }
0x88: {  	s13 =	spop (v2sf)  }
0x89: {  	s14 =	sshrl.u32 s13, $0x1  }
0x8a: {  	s13 =	sand.u32 $0x3FFF, s13;
	s14 =	sand.u32 $0x1FFC000, s14  }
0x8b: {  	s13 =	sor.u32 s13, s14  }
0x8c: {  	s13 =	sshll.u32 s13, $0x4  }
0x8d: {  	s12 =	sadd.s32 $0x80, s12;
	s13 =	sadd.s32 s3, s13  }
0x8e: {  	[tilespmem:s12], [sflag:$0x1] =	stream.linear.gather [hbm4b:s13+s2], $0x80, $0x38;
	[tilespmem:$0x18280] =	vst v63  }
0x8f: {  	_ =	swait.ge [sflag:s9], $0x4000  }
0x90: {  	[sflag:s9] =	ssyncset.done $0x0  }
0x91: {  	s13 =	simm.s32 $0x80;
	[sflag:s9] =	ssyncadd.s32 $0xFFFFC000  }
0x92: {  	s14 =	simm.s32 $0x200;
	s12 =	simm.s32 $0x0;
	v0 =	vld [tilespmem:s13+$0x0]  }
.LBB2_13:
0x93: {  	p0 =	sne.s32 s14, $0xFE00;
	_ =	sdelay $0x3  }
0x94: {  	(v2sf) =	vpush v0, $0x0;
	_ =	sdelay $0xe  }
0x95: {  	s15 =	spop (v2sf)  }
0x96: {  	s15 =	sshrl.u32 s15, $0x8  }
0x97: {  	s16 =	sshra.s32 s12, $0x2;
	s12 =	smov.u32 s14;
	s15 =	sand.u32 $0x40, s15  }
0x98: {  	s15 =	sadd.s32 s16, s15  }
0x99: {  	v0 =	vld [tilespmem:s15+$0x4280];
	_ =	sdelay $0x4  }
0x9a: {  	[tilespmem:s16+$0xC280] =	vst v0  }
0x9b: {  	v0 =	vld [tilespmem:s15+$0x4290];
	_ =	sdelay $0x4  }
0x9c: {  	[tilespmem:s16+$0xC290] =	vst v0  }
0x9d: {  	v0 =	vld [tilespmem:s15+$0x42A0];
	_ =	sdelay $0x4  }
0x9e: {  	[tilespmem:s16+$0xC2A0] =	vst v0  }
0x9f: {  	v0 =	vld [tilespmem:s15+$0x42B0];
	_ =	sdelay $0x1  }
.Ltmp6:
0xa0: {  	(pc) =	sbr.rel @p0 .LBB2_13-.Ltmp6, $3  }
0xa1: {  	_ =	sdelay $0x1  }
0xa2: {  	s13 =	sadd.s32 $0x1, s13;
	[tilespmem:s16+$0xC2B0] =	vst v0  }
0xa3: {  	s14 =	sadd.s32 $0x200, s14;
	v0 =	vld [tilespmem:s13+$0x0]  }
0xa4: {  	_ =	sdelay $0x3  }
0xa5: {  	(v2sf) =	vpush v0, $0x0;
	_ =	sdelay $0xe  }
0xa6: {  	s13 =	spop (v2sf)  }
0xa7: {  	s13 =	sshrl.u32 s13, $0x8  }
0xa8: {  	s12 =	sshra.s32 s12, $0x2;
	s13 =	sand.u32 $0x40, s13  }
0xa9: {  	s13 =	sadd.s32 s12, s13  }
0xaa: {  	v0 =	vld [tilespmem:s13+$0x4280];
	_ =	sdelay $0x4  }
0xab: {  	[tilespmem:s12+$0xC280] =	vst v0  }
0xac: {  	v0 =	vld [tilespmem:s13+$0x4290];
	_ =	sdelay $0x4  }
0xad: {  	[tilespmem:s12+$0xC290] =	vst v0  }
0xae: {  	v0 =	vld [tilespmem:s13+$0x42A0];
	_ =	sdelay $0x4  }
0xaf: {  	[tilespmem:s12+$0xC2A0] =	vst v0  }
0xb0: {  	v0 =	vld [tilespmem:s13+$0x42B0];
	_ =	sdelay $0x4  }
0xb1: {  	s28 =	simm.s32 $0x0;
	[tilespmem:s12+$0xC2B0] =	vst v0  }
0xb2: {  	v0 =	vld [tilespmem:s28+$0x180];
	_ =	sdelay $0x4  }
0xb3: {  	(v2sf) =	vpush v0, $0x0;
	_ =	sdelay $0xe  }
0xb4: {  	s29 =	spop (v2sf)  }
0xb5: {  	s30 =	sshrl.u32 s29, $0x1  }
0xb6: {  	s12 =	sand.u32 $0x3FFF, s29;
	s13 =	sand.u32 $0x1FFC000, s30  }
0xb7: {  	s12 =	sor.u32 s12, s13  }
0xb8: {  	s13 =	sshll.u32 s12, $0x4  }
0xb9: {  	s31 =	simm.s32 $0x1;
	s12 =	simm.s32 $0x4280;
	s13 =	sadd.s32 s3, s13  }
0xba: {  	[tilespmem:s12], [sflag:$0x2] =	stream.linear.gather [hbm4b:s13+s2], $0x80, $0x38;
	[tilespmem:$0x18280] =	vst v63  }
0xbb: {  	s13 =	simm.s32 $0x8;
	v0 =	vld [tilespmem:s31+$0x180]  }
.LBB2_15:
0xbc: {  	p0 =	sne.s32 s13, $0x1FC;
	_ =	sdelay $0x3  }
0xbd: {  	(v2sf) =	vpush v0, $0x0;
	_ =	sdelay $0xe  }
0xbe: {  	s14 =	spop (v2sf)  }
0xbf: {  	s15 =	sshrl.u32 s14, $0x1  }
0xc0: {  	s14 =	sand.u32 $0x3FFF, s14;
	s15 =	sand.u32 $0x1FFC000, s15  }
.Ltmp7:
0xc1: {  	s14 =	sor.u32 s14, s15;
	(pc) =	sbr.rel @p0 .LBB2_15-.Ltmp7, $4  }
0xc2: {  	s14 =	sshll.u32 s14, $0x4  }
0xc3: {  	s12 =	sadd.s32 $0x80, s12;
	s15 =	sshra.s32 s13, $0x2;
	s14 =	sadd.s32 s3, s14  }
0xc4: {  	[tilespmem:s12], [sflag:$0x2] =	stream.linear.gather [hbm4b:s14+s2], $0x80, $0x38;
	[tilespmem:$0x18280] =	vst v63  }
0xc5: {  	s13 =	sadd.s32 $0x4, s13;
	v0 =	vld [tilespmem:s15+$0x180]  }
0xc6: {  	_ =	sdelay $0x3  }
0xc7: {  	(v2sf) =	vpush v0, $0x0;
	_ =	sdelay $0xe  }
0xc8: {  	s13 =	spop (v2sf)  }
0xc9: {  	s14 =	sshrl.u32 s13, $0x1  }
0xca: {  	s13 =	sand.u32 $0x3FFF, s13;
	s14 =	sand.u32 $0x1FFC000, s14  }
0xcb: {  	s13 =	sor.u32 s13, s14  }
0xcc: {  	s13 =	sshll.u32 s13, $0x4  }
0xcd: {  	s12 =	sadd.s32 $0x80, s12;
	s13 =	sadd.s32 s3, s13  }
0xce: {  	[tilespmem:s12], [sflag:$0x2] =	stream.linear.gather [hbm4b:s13+s2], $0x80, $0x38;
	[tilespmem:$0x18280] =	vst v63  }
0xcf: {  	_ =	swait.ge [sflag:s8], $0x4000  }
0xd0: {  	[sflag:s8] =	ssyncset.done $0x0  }
0xd1: {  	s13 =	simm.s32 $0x100;
	[sflag:s8] =	ssyncadd.s32 $0xFFFFC000  }
0xd2: {  	s14 =	simm.s32 $0x200;
	s12 =	simm.s32 $0x0;
	v0 =	vld [tilespmem:s13+$0x0]  }
.LBB2_17:
0xd3: {  	p0 =	sne.s32 s14, $0xFE00;
	_ =	sdelay $0x3  }
0xd4: {  	(v2sf) =	vpush v0, $0x0;
	_ =	sdelay $0xe  }
0xd5: {  	s15 =	spop (v2sf)  }
0xd6: {  	s15 =	sshrl.u32 s15, $0x6  }
0xd7: {  	s15 =	sand.u32 $0x100, s15  }
0xd8: {  	s16 =	sadd.s32 s15, s12;
	s15 =	sshrl.u32 s15, $0x2  }
0xd9: {  	s16 =	sshra.s32 s16, $0x2  }
0xda: {  	v0 =	vld [tilespmem:s16+$0x280];
	_ =	sdelay $0x3  }
0xdb: {  	s17 =	sshra.s32 s12, $0x2;
	s12 =	smov.u32 s14  }
0xdc: {  	s15 =	sadd.s32 s17, s15;
	[tilespmem:s17+$0x10280] =	vst v0  }
0xdd: {  	v0 =	vld [tilespmem:s15+$0x290];
	_ =	sdelay $0x4  }
0xde: {  	[tilespmem:s17+$0x10290] =	vst v0  }
0xdf: {  	v0 =	vld [tilespmem:s15+$0x2A0];
	_ =	sdelay $0x4  }
0xe0: {  	[tilespmem:s17+$0x102A0] =	vst v0  }
0xe1: {  	v0 =	vld [tilespmem:s16+$0x2B0];
	_ =	sdelay $0x1  }
.Ltmp8:
0xe2: {  	(pc) =	sbr.rel @p0 .LBB2_17-.Ltmp8, $3  }
0xe3: {  	_ =	sdelay $0x1  }
0xe4: {  	s13 =	sadd.s32 $0x1, s13;
	[tilespmem:s17+$0x102B0] =	vst v0  }
0xe5: {  	s14 =	sadd.s32 $0x200, s14;
	v0 =	vld [tilespmem:s13+$0x0]  }
0xe6: {  	_ =	sdelay $0x3  }
0xe7: {  	(v2sf) =	vpush v0, $0x0;
	_ =	sdelay $0xe  }
0xe8: {  	s13 =	spop (v2sf)  }
0xe9: {  	s13 =	sshrl.u32 s13, $0x6  }
0xea: {  	s13 =	sand.u32 $0x100, s13  }
0xeb: {  	s14 =	sadd.s32 s13, s12  }
0xec: {  	s14 =	sshra.s32 s14, $0x2  }
0xed: {  	v0 =	vld [tilespmem:s14+$0x280];
	_ =	sdelay $0x3  }
0xee: {  	s31 =	sshra.s32 s12, $0x2;
	s13 =	sshrl.u32 s13, $0x2  }
0xef: {  	s13 =	sadd.s32 s31, s13;
	[tilespmem:s31+$0x10280] =	vst v0  }
0xf0: {  	v0 =	vld [tilespmem:s13+$0x290];
	_ =	sdelay $0x4  }
0xf1: {  	[tilespmem:s31+$0x10290] =	vst v0  }
0xf2: {  	v0 =	vld [tilespmem:s13+$0x2A0];
	_ =	sdelay $0x4  }
0xf3: {  	[tilespmem:s31+$0x102A0] =	vst v0  }
0xf4: {  	v0 =	vld [tilespmem:s14+$0x2B0];
	_ =	sdelay $0x4  }
0xf5: {  	[tilespmem:s31+$0x102B0] =	vst v0  }
0xf6: {  	_ =	swait.ge [sflag:s9], $0x4000  }
0xf7: {  	[sflag:s9] =	ssyncset.done $0x0  }
0xf8: {  	s13 =	simm.s32 $0x180;
	[sflag:s9] =	ssyncadd.s32 $0xFFFFC000  }
0xf9: {  	s12 =	simm.s32 $0x0;
	s14 =	simm.s32 $0x200;
	v0 =	vld [tilespmem:s13+$0x0]  }
.LBB2_19:
0xfa: {  	p0 =	sne.s32 s14, $0xFE00;
	_ =	sdelay $0x3  }
0xfb: {  	(v2sf) =	vpush v0, $0x0;
	_ =	sdelay $0xe  }
0xfc: {  	s15 =	spop (v2sf)  }
0xfd: {  	s15 =	sshrl.u32 s15, $0x8  }
0xfe: {  	s16 =	sshra.s32 s12, $0x2;
	s12 =	smov.u32 s14;
	s15 =	sand.u32 $0x40, s15  }
0xff: {  	s15 =	sadd.s32 s16, s15  }
0x100: {  	v0 =	vld [tilespmem:s15+$0x4280];
	_ =	sdelay $0x4  }
0x101: {  	[tilespmem:s16+$0x14280] =	vst v0  }
0x102: {  	v0 =	vld [tilespmem:s15+$0x4290];
	_ =	sdelay $0x4  }
0x103: {  	[tilespmem:s16+$0x14290] =	vst v0  }
0x104: {  	v0 =	vld [tilespmem:s15+$0x42A0];
	_ =	sdelay $0x4  }
0x105: {  	[tilespmem:s16+$0x142A0] =	vst v0  }
0x106: {  	v0 =	vld [tilespmem:s15+$0x42B0];
	_ =	sdelay $0x1  }
.Ltmp9:
0x107: {  	(pc) =	sbr.rel @p0 .LBB2_19-.Ltmp9, $3  }
0x108: {  	_ =	sdelay $0x1  }
0x109: {  	s13 =	sadd.s32 $0x1, s13;
	[tilespmem:s16+$0x142B0] =	vst v0  }
0x10a: {  	s14 =	sadd.s32 $0x200, s14;
	v0 =	vld [tilespmem:s13+$0x0]  }
0x10b: {  	_ =	sdelay $0x3  }
0x10c: {  	(v2sf) =	vpush v0, $0x0;
	_ =	sdelay $0xe  }
0x10d: {  	s13 =	spop (v2sf)  }
0x10e: {  	s13 =	sshrl.u32 s13, $0x8  }
0x10f: {  	s12 =	sshra.s32 s12, $0x2;
	s13 =	sand.u32 $0x40, s13  }
0x110: {  	s13 =	sadd.s32 s12, s13  }
0x111: {  	v63 =	vld [tilespmem:s13+$0x4280];
	_ =	sdelay $0x4  }
0x112: {  	[tilespmem:s12+$0x14280] =	vst v63  }
0x113: {  	v0 =	vld [tilespmem:s13+$0x4290];
	_ =	sdelay $0x4  }
0x114: {  	[tilespmem:s12+$0x14290] =	vst v0  }
0x115: {  	v0 =	vld [tilespmem:s13+$0x42A0];
	_ =	sdelay $0x4  }
0x116: {  	[tilespmem:s12+$0x142A0] =	vst v0  }
0x117: {  	v0 =	vld [tilespmem:s13+$0x42B0];
	_ =	sdelay $0x3  }
0x118: {  	s11 =	sadd.s32 $0x1, s11  }
0x119: {  	p0 =	sne.s32 s11, s6;
	[tilespmem:s12+$0x142B0] =	vst v0  }
0x11a: {  	[hbm4b:s5+s2] =	stream.linear.scatter [tilespmem:s10], [sflag:$0x3], $0x10000, $0x38;
	[tilespmem:$0x18280] =	vst v63  }
.Ltmp10:
0x11b: {  	_ = 	snop;
	(pc) =	sbr.rel @p0 .LBB2_1-.Ltmp10, $4  }
.Ltmp11:
0x11c: {  	_ = 	snop;
	(pc) =	sbr.rel @!p0 .LBB2_21-.Ltmp11, $4  }
0x11d: {  	_ =	swait.ge [sflag:s7], $0x10000  }
0x11e: {  	[sflag:s7] =	ssyncset.done $0x0  }
0x11f: {  	[sflag:s7] =	ssyncadd.s32 $0xFFFF0000  }
0x120: {  	_ = 	snop  }
.LBB2_4:
.Ltmp12:
0x121: {  	(pc) =	sbr.rel .LBB2_8-.Ltmp12, $2  }
0x122: {  	_ =	sdelay $0x2  }
0x123: {  	s13 =	simm.s32 $0x4280  }
.LBB2_6:
.Ltmp13:
0x124: {  	(pc) =	sbr.rel .LBB2_8-.Ltmp13, $2  }
0x125: {  	_ =	sdelay $0x2  }
0x126: {  	s13 =	simm.s32 $0x4280  }
.LBB2_21:
0x127: {  	_ =	sfence.sel $0x180000  }
0x128: {  	[bflag:$0x0] =	sbarrier.arrive $0xFFFF  }
0x129: {  	p0 =	sne.s32 s1, $0x0;
	_ =	strace $0x90000047  }
0x12a: {  	s0 =	sadd.s32 @!p0 $0x100000, s0;
	[bflag:$0x2] =	sbarrier.arrive $0xFFFF  }
0x12b: {  	[sflag:s0] =	ssyncadd.tile.s32 @!p0 $0x1;
	_ =	shalt  }
.Lfunc_end2:
_tile_overlayer_lowered:
.L_overlay_start_2:
0x12c: {  	(tag) =	ssettag $0x2  }
0x12d: {  	s0 =	rddreg [dreg:$0x0];
	s2 =	stileid.u32  }
0x12e: {  	s1 =	rddreg [dreg:$0x1];
	p0 =	sne.s32 s2, $0x0  }
0x12f: {  	s3 =	rddreg [dreg:$0x2];
	[bflag:$0x3] =	sbarrier.arrive $0xFFFF;
	s2 =	simm.s32 @!p0 $0x1C03  }
0x130: {  	[timem:s3], [sflag:s2] =	dma.local @!p0 [hbm:s0], s1  }
0x131: {  	s0 =	simm.s32 @!p0 $0x3  }
0x132: {  	_ =	swait.ge @!p0 [sflag:s0], s1  }
0x133: {  	s1 =	ssub.s32 @!p0 $0x0, s1;
	[sflag:s0] =	ssyncset.done @!p0 $0x0  }
0x134: {  	[sflag:s0] =	ssyncadd.s32 @!p0 s1  }
0x135: {  	[bflag:$0x3] =	sbarrier.arrive $0xFFFF  }
0x136: {  	_ =	shalt  }

</sc_bundles>
